<compile_context>
chip_gen: v7x
topology: tpu7x:2x2x1
jax: 0.10.2.dev20260603
libtpu: 0.0.44.dev20260713+nightly
codegen_flags: <defaults>
</compile_context>

<pallas_src>
import functools

import jax
import jax.numpy as jnp
from jax import lax
from jax.experimental import pallas as pl
from jax.experimental.pallas import tpu as pltpu
from jax.experimental.pallas import tpu_sc as plsc

D_WORD = 64
D_FEAT = 16
D_OUT = 96
D_PAD = 128
CHUNK = 256


def _embed(emb_lut, comb_table, src, cidx):
    N = src.shape[0]
    info = plsc.get_sparse_core_info()
    NC, NS = info.num_cores, info.num_subcores
    NW = NC * NS
    assert N % NW == 0
    tok_per_w = N // NW
    assert tok_per_w % CHUNK == 0
    n_chunks = tok_per_w // CHUNK

    mesh = plsc.VectorSubcoreMesh(core_axis_name="c", subcore_axis_name="s")

    @functools.partial(
        pl.kernel,
        out_type=jax.ShapeDtypeStruct((N, D_PAD), jnp.float32),
        mesh=mesh,
        compiler_params=pltpu.CompilerParams(use_tc_tiling_on_sc=False),
        scratch_types=[
            [pltpu.VMEM((CHUNK,), jnp.int32) for _ in range(2)],
            [pltpu.VMEM((CHUNK,), jnp.int32) for _ in range(2)],
            [pltpu.VMEM((CHUNK, 2 * D_FEAT), jnp.float32) for _ in range(2)],
            [pltpu.VMEM((CHUNK, D_PAD), jnp.float32) for _ in range(2)],
            [pltpu.SemaphoreType.DMA for _ in range(2)],
            [pltpu.SemaphoreType.DMA for _ in range(2)],
            [pltpu.SemaphoreType.DMA for _ in range(2)],
        ],
    )
    def body(emb_hbm, comb_hbm, src_hbm, cidx_hbm, out_hbm,
             wi, ci, cbuf, obuf, si, sg, so):
        wid = lax.axis_index("s") * NC + lax.axis_index("c")
        base0 = wid * tok_per_w

        def idx_copies(c, s):
            base = base0 + c * CHUNK
            return (
                pltpu.make_async_copy(src_hbm.at[pl.ds(base, CHUNK)], wi[s], si[s]),
                pltpu.make_async_copy(cidx_hbm.at[pl.ds(base, CHUNK)], ci[s], si[s]),
            )

        def gather_copies(s):
            return (
                pltpu.make_async_copy(emb_hbm.at[wi[s]], obuf[s], sg[s]),
                pltpu.make_async_copy(comb_hbm.at[ci[s]], cbuf[s], sg[s]),
            )

        def out_copy(c, s):
            base = base0 + c * CHUNK
            return pltpu.make_async_copy(obuf[s], out_hbm.at[pl.ds(base, CHUNK)], so[s])

        def start(c, s):
            for cp in idx_copies(c, s):
                cp.start()

        def mid(c, s):
            for cp in idx_copies(c, s):
                cp.wait()
            for cp in gather_copies(s):
                cp.start()

        UNROLL = 8

        def assemble_one(s):
            def assemble(g, carry):
                j0 = g * UNROLL
                for u in range(UNROLL):
                    j = j0 + u
                    obuf[s][j, pl.ds(D_WORD, 16)] = cbuf[s][j, pl.ds(0, 16)]
                    obuf[s][j, pl.ds(D_WORD + D_FEAT, 16)] = cbuf[s][j, pl.ds(D_FEAT, 16)]
                return carry

            lax.fori_loop(0, CHUNK // UNROLL, assemble, 0)

        def step(i, b):
            @pl.when(i >= 1)
            def _():
                out_copy(i - 1, 1 - b).wait()

            mid(i + 1, 1 - b)
            for cp in gather_copies(b):
                cp.wait()

            @pl.when(i < n_chunks - 2)
            def _():
                start(i + 2, b)

            assemble_one(b)
            out_copy(i, b).start()

        assert n_chunks % 2 == 0 and n_chunks >= 4

        start(0, 0)
        start(1, 1)
        mid(0, 0)

        def pair(p, carry):
            for b in range(2):
                step(2 * p + b, b)
            return carry

        lax.fori_loop(0, (n_chunks - 2) // 2, pair, 0)

        step(n_chunks - 2, 0)

        c = n_chunks - 1
        for cp in gather_copies(1):
            cp.wait()
        assemble_one(1)
        out_copy(c, 1).start()
        out_copy(c, 1).wait()
        out_copy(c - 1, 0).wait()

    return body(emb_lut, comb_table, src, cidx)


def kernel(emb_lut, pos_table, ner_table, source, pos_idx, ner_idx):
    B, L = source.shape
    N = B * L
    n_ner = ner_table.shape[0]
    emb128 = jnp.pad(emb_lut, ((0, 0), (0, D_WORD)))
    src = source.reshape(N).astype(jnp.int32)
    cidx = pos_idx.reshape(N).astype(jnp.int32) * n_ner + ner_idx.reshape(N).astype(jnp.int32)
    comb = jnp.concatenate(
        [jnp.repeat(pos_table, n_ner, axis=0), jnp.tile(ner_table, (pos_table.shape[0], 1))],
        axis=1,
    )
    out = _embed(emb128, comb, src, cidx)
    return out[:, :D_OUT].reshape(B, L, D_OUT)

# --- scband reference (transcript-rebuilt; emitter-appended) ---
"""Pipeline reference for scband-embedder-11398843203683 (READ-ONLY COPY).

The authoritative reference and input builder live on the scoring server;
editing this copy changes nothing except your own understanding.
"""

import jax, jax.numpy as jnp
import numpy as np

VOCAB = 1000000
D_WORD = 64
POS_VOCAB = 512
NER_VOCAB = 64
D_FEAT = 16
B, L = 4096, 200
INIT_W = 0.1


def setup_inputs(seed: int = 0) -> dict:
    key = jax.random.key(seed)
    k1, k2, k3, k4, k5, k6 = jax.random.split(key, 6)
    source = jax.random.randint(k1, (B, L), 0, VOCAB, dtype=jnp.int64)
    pos_idx = jax.random.randint(k2, (B, L), 0, POS_VOCAB, dtype=jnp.int64)
    ner_idx = jax.random.randint(k3, (B, L), 0, NER_VOCAB, dtype=jnp.int64)
    emb_lut = jax.random.uniform(k4, (VOCAB, D_WORD), minval=-INIT_W, maxval=INIT_W, dtype=jnp.float32)
    emb_lut = emb_lut.at[0].set(0.0)  # padding_idx = 0
    pos_table = jax.random.uniform(k5, (POS_VOCAB, D_FEAT), minval=-INIT_W, maxval=INIT_W, dtype=jnp.float32)
    pos_table = pos_table.at[0].set(0.0)
    ner_table = jax.random.uniform(k6, (NER_VOCAB, D_FEAT), minval=-INIT_W, maxval=INIT_W, dtype=jnp.float32)
    ner_table = ner_table.at[0].set(0.0)
    return {"emb_lut": emb_lut, "pos_table": pos_table, "ner_table": ner_table,
            "source": source, "pos_idx": pos_idx, "ner_idx": ner_idx}


def reference(emb_lut, pos_table, ner_table, source, pos_idx, ner_idx):
    word_embs = jnp.take(emb_lut, source, axis=0)          # [B, L, 64]
    pos_embs = jnp.take(pos_table, pos_idx, axis=0)         # [B, L, 16]
    ner_embs = jnp.take(ner_table, ner_idx, axis=0)         # [B, L, 16]
    return jnp.concatenate([word_embs, pos_embs, ner_embs], axis=2)  # [B, L, 96]

if __name__ == "__main__":
    import jax
    _d = setup_inputs()
    print(jax.jit(kernel)(*tuple(_d.values())))

</pallas_src>

<mosaic_0001>
#map = affine_map<(d0, d1) -> (0, 0)>
#map1 = affine_map<(d0, d1) -> (0)>
module attributes {stable_mosaic.version = 14 : i64} {
  func.func @body(%arg0: i32, %arg1: i32, %arg2: memref<1000000x128xf32, #tpu.memory_space<hbm>>, %arg3: memref<32768x32xf32, #tpu.memory_space<hbm>>, %arg4: memref<819200xi32, #tpu.memory_space<hbm>>, %arg5: memref<819200xi32, #tpu.memory_space<hbm>>, %arg6: memref<819200x128xf32, #tpu.memory_space<hbm>>, %arg7: memref<256xi32, #tpu.memory_space<vmem>>, %arg8: memref<256xi32, #tpu.memory_space<vmem>>, %arg9: memref<256xi32, #tpu.memory_space<vmem>>, %arg10: memref<256xi32, #tpu.memory_space<vmem>>, %arg11: memref<256x32xf32, #tpu.memory_space<vmem>>, %arg12: memref<256x32xf32, #tpu.memory_space<vmem>>, %arg13: memref<256x128xf32, #tpu.memory_space<vmem>>, %arg14: memref<256x128xf32, #tpu.memory_space<vmem>>, %arg15: memref<!tpu.dma_semaphore, #tpu.memory_space<semaphore_mem>>, %arg16: memref<!tpu.dma_semaphore, #tpu.memory_space<semaphore_mem>>, %arg17: memref<!tpu.dma_semaphore, #tpu.memory_space<semaphore_mem>>, %arg18: memref<!tpu.dma_semaphore, #tpu.memory_space<semaphore_mem>>, %arg19: memref<!tpu.dma_semaphore, #tpu.memory_space<semaphore_mem>>, %arg20: memref<!tpu.dma_semaphore, #tpu.memory_space<semaphore_mem>>) attributes {dimension_semantics = [#tpu.dimension_semantics<core_parallel>, #tpu.dimension_semantics<subcore_parallel>], iteration_bounds = array<i64: 2, 16>, scalar_prefetch = 0 : i64, scratch_operands = 14 : i64, tpu.core_type = #tpu.core_type<sc_vector_subcore>, window_params = [{transform_indices = #map}, {transform_indices = #map}, {transform_indices = #map1}, {transform_indices = #map1}, {transform_indices = #map}]} {
    %mul3A = arith.constant 2 : i32
    %mul3A_0 = arith.muli %arg1, %mul3A : i32
    %add3A = arith.addi %mul3A_0, %arg0 : i32
    %mul3A_1 = arith.constant 25600 : i32
    %mul3A_2 = arith.muli %add3A, %mul3A_1 : i32
    %add3A_3 = arith.constant 0 : i32
    %add3A_4 = arith.addi %mul3A_2, %add3A_3 : i32
    %dma_start3A = tpu.memref_slice %arg4[%add3A_4] : memref<819200xi32, #tpu.memory_space<hbm>> -> memref<256xi32, #tpu.memory_space<hbm>>
    %dma_start3A_5 = tpu.memref_slice %arg4[%add3A_4] : memref<819200xi32, #tpu.memory_space<hbm>> -> memref<256xi32, #tpu.memory_space<hbm>>
    tpu.enqueue_dma source(%dma_start3A_5 : memref<256xi32, #tpu.memory_space<hbm>>) target(%arg7 : memref<256xi32, #tpu.memory_space<vmem>>) target_semaphore(%arg15 : memref<!tpu.dma_semaphore, #tpu.memory_space<semaphore_mem>>)
    %dma_start3A_6 = tpu.memref_slice %arg5[%add3A_4] : memref<819200xi32, #tpu.memory_space<hbm>> -> memref<256xi32, #tpu.memory_space<hbm>>
    %dma_start3A_7 = tpu.memref_slice %arg5[%add3A_4] : memref<819200xi32, #tpu.memory_space<hbm>> -> memref<256xi32, #tpu.memory_space<hbm>>
    tpu.enqueue_dma source(%dma_start3A_7 : memref<256xi32, #tpu.memory_space<hbm>>) target(%arg9 : memref<256xi32, #tpu.memory_space<vmem>>) target_semaphore(%arg15 : memref<!tpu.dma_semaphore, #tpu.memory_space<semaphore_mem>>)
    %add3A_8 = arith.constant 256 : i32
    %add3A_9 = arith.addi %mul3A_2, %add3A_8 : i32
    %dma_start3A_10 = tpu.memref_slice %arg4[%add3A_9] : memref<819200xi32, #tpu.memory_space<hbm>> -> memref<256xi32, #tpu.memory_space<hbm>>
    %dma_start3A_11 = tpu.memref_slice %arg4[%add3A_9] : memref<819200xi32, #tpu.memory_space<hbm>> -> memref<256xi32, #tpu.memory_space<hbm>>
    tpu.enqueue_dma source(%dma_start3A_11 : memref<256xi32, #tpu.memory_space<hbm>>) target(%arg8 : memref<256xi32, #tpu.memory_space<vmem>>) target_semaphore(%arg16 : memref<!tpu.dma_semaphore, #tpu.memory_space<semaphore_mem>>)
    %dma_start3A_12 = tpu.memref_slice %arg5[%add3A_9] : memref<819200xi32, #tpu.memory_space<hbm>> -> memref<256xi32, #tpu.memory_space<hbm>>
    %dma_start3A_13 = tpu.memref_slice %arg5[%add3A_9] : memref<819200xi32, #tpu.memory_space<hbm>> -> memref<256xi32, #tpu.memory_space<hbm>>
    tpu.enqueue_dma source(%dma_start3A_13 : memref<256xi32, #tpu.memory_space<hbm>>) target(%arg10 : memref<256xi32, #tpu.memory_space<vmem>>) target_semaphore(%arg16 : memref<!tpu.dma_semaphore, #tpu.memory_space<semaphore_mem>>)
    %add3A_14 = arith.constant 0 : i32
    %add3A_15 = arith.addi %mul3A_2, %add3A_14 : i32
    %dma_wait3A = tpu.memref_slice %arg4[%add3A_15] : memref<819200xi32, #tpu.memory_space<hbm>> -> memref<256xi32, #tpu.memory_space<hbm>>
    %dma_wait3A_16 = tpu.memref_slice %arg4[%add3A_15] : memref<819200xi32, #tpu.memory_space<hbm>> -> memref<256xi32, #tpu.memory_space<hbm>>
    tpu.wait_dma2 semaphore(%arg15 : memref<!tpu.dma_semaphore, #tpu.memory_space<semaphore_mem>>) src(%dma_wait3A_16 : memref<256xi32, #tpu.memory_space<hbm>>) dst(%arg7 : memref<256xi32, #tpu.memory_space<vmem>>)
    %dma_wait3A_17 = tpu.memref_slice %arg5[%add3A_15] : memref<819200xi32, #tpu.memory_space<hbm>> -> memref<256xi32, #tpu.memory_space<hbm>>
    %dma_wait3A_18 = tpu.memref_slice %arg5[%add3A_15] : memref<819200xi32, #tpu.memory_space<hbm>> -> memref<256xi32, #tpu.memory_space<hbm>>
    tpu.wait_dma2 semaphore(%arg15 : memref<!tpu.dma_semaphore, #tpu.memory_space<semaphore_mem>>) src(%dma_wait3A_18 : memref<256xi32, #tpu.memory_space<hbm>>) dst(%arg9 : memref<256xi32, #tpu.memory_space<vmem>>)
    %dma_start3A_19 = arith.constant 0 : i32
    %dma_start3A_20 = arith.constant 0 : i32
    %dma_start3A_21 = tpu.memref_slice %arg2[%dma_start3A_19, %dma_start3A_20] : memref<1000000x128xf32, #tpu.memory_space<hbm>> -> memref<1000000x128xf32, #tpu.memory_space<hbm>>
    tpu.enqueue_indirect_dma source(%dma_start3A_21 : memref<1000000x128xf32, #tpu.memory_space<hbm>>) target(%arg13 : memref<256x128xf32, #tpu.memory_space<vmem>>) offsets(%arg7 : memref<256xi32, #tpu.memory_space<vmem>>) semaphore(%arg17 : memref<!tpu.dma_semaphore, #tpu.memory_space<semaphore_mem>>)
    %dma_start3A_22 = arith.constant 0 : i32
    %dma_start3A_23 = arith.constant 0 : i32
    %dma_start3A_24 = tpu.memref_slice %arg3[%dma_start3A_22, %dma_start3A_23] : memref<32768x32xf32, #tpu.memory_space<hbm>> -> memref<32768x32xf32, #tpu.memory_space<hbm>>
    tpu.enqueue_indirect_dma source(%dma_start3A_24 : memref<32768x32xf32, #tpu.memory_space<hbm>>) target(%arg11 : memref<256x32xf32, #tpu.memory_space<vmem>>) offsets(%arg9 : memref<256xi32, #tpu.memory_space<vmem>>) semaphore(%arg17 : memref<!tpu.dma_semaphore, #tpu.memory_space<semaphore_mem>>)
    %scan3A = arith.constant 0 : i32
    %scan3A_25 = arith.constant 0 : i32
    %scan3A_26 = arith.constant 49 : i32
    %scan3A_27 = arith.addi %scan3A_25, %scan3A_26 : i32
    %scan3A_28 = arith.constant 1 : i32
    scf.for %scan3A_96 = %scan3A_25 to %scan3A_27 step %scan3A_28  : i32 {
      %mul3A_97 = arith.constant 2 : i32
      %mul3A_98 = arith.muli %mul3A_97, %scan3A_96 : i32
      %add3A_99 = arith.constant 0 : i32
      %add3A_100 = arith.addi %mul3A_98, %add3A_99 : i32
      %ge3A = arith.constant 1 : i32
      %ge3A_101 = arith.cmpi sge, %add3A_100, %ge3A : i32
      %convert_element_type3A = arith.extui %ge3A_101 : i1 to i32
      %cond3A = arith.constant 0 : i32
      %cond3A_102 = arith.cmpi ne, %convert_element_type3A, %cond3A : i32
      scf.if %cond3A_102 {
        %sub3A = arith.constant 1 : i32
        %sub3A_189 = arith.subi %add3A_100, %sub3A : i32
        %mul3A_190 = arith.constant 256 : i32
        %mul3A_191 = arith.muli %sub3A_189, %mul3A_190 : i32
        %add3A_192 = arith.addi %mul3A_2, %mul3A_191 : i32
        %dma_wait3A_193 = arith.constant 0 : i32
        %dma_wait3A_194 = tpu.memref_slice %arg6[%add3A_192, %dma_wait3A_193] : memref<819200x128xf32, #tpu.memory_space<hbm>> -> memref<256x128xf32, #tpu.memory_space<hbm>>
        %dma_wait3A_195 = arith.constant 0 : i32
        %dma_wait3A_196 = tpu.memref_slice %arg6[%add3A_192, %dma_wait3A_195] : memref<819200x128xf32, #tpu.memory_space<hbm>> -> memref<256x128xf32, #tpu.memory_space<hbm>>
        tpu.wait_dma2 semaphore(%arg20 : memref<!tpu.dma_semaphore, #tpu.memory_space<semaphore_mem>>) src(%arg14 : memref<256x128xf32, #tpu.memory_space<vmem>>) dst(%dma_wait3A_196 : memref<256x128xf32, #tpu.memory_space<hbm>>)
      } else {
      }
      %add3A_103 = arith.constant 1 : i32
      %add3A_104 = arith.addi %add3A_100, %add3A_103 : i32
      %mul3A_105 = arith.constant 256 : i32
      %mul3A_106 = arith.muli %add3A_104, %mul3A_105 : i32
      %add3A_107 = arith.addi %mul3A_2, %mul3A_106 : i32
      %dma_wait3A_108 = tpu.memref_slice %arg4[%add3A_107] : memref<819200xi32, #tpu.memory_space<hbm>> -> memref<256xi32, #tpu.memory_space<hbm>>
      %dma_wait3A_109 = tpu.memref_slice %arg4[%add3A_107] : memref<819200xi32, #tpu.memory_space<hbm>> -> memref<256xi32, #tpu.memory_space<hbm>>
      tpu.wait_dma2 semaphore(%arg16 : memref<!tpu.dma_semaphore, #tpu.memory_space<semaphore_mem>>) src(%dma_wait3A_109 : memref<256xi32, #tpu.memory_space<hbm>>) dst(%arg8 : memref<256xi32, #tpu.memory_space<vmem>>)
      %dma_wait3A_110 = tpu.memref_slice %arg5[%add3A_107] : memref<819200xi32, #tpu.memory_space<hbm>> -> memref<256xi32, #tpu.memory_space<hbm>>
      %dma_wait3A_111 = tpu.memref_slice %arg5[%add3A_107] : memref<819200xi32, #tpu.memory_space<hbm>> -> memref<256xi32, #tpu.memory_space<hbm>>
      tpu.wait_dma2 semaphore(%arg16 : memref<!tpu.dma_semaphore, #tpu.memory_space<semaphore_mem>>) src(%dma_wait3A_111 : memref<256xi32, #tpu.memory_space<hbm>>) dst(%arg10 : memref<256xi32, #tpu.memory_space<vmem>>)
      %dma_start3A_112 = arith.constant 0 : i32
      %dma_start3A_113 = arith.constant 0 : i32
      %dma_start3A_114 = tpu.memref_slice %arg2[%dma_start3A_112, %dma_start3A_113] : memref<1000000x128xf32, #tpu.memory_space<hbm>> -> memref<1000000x128xf32, #tpu.memory_space<hbm>>
      tpu.enqueue_indirect_dma source(%dma_start3A_114 : memref<1000000x128xf32, #tpu.memory_space<hbm>>) target(%arg14 : memref<256x128xf32, #tpu.memory_space<vmem>>) offsets(%arg8 : memref<256xi32, #tpu.memory_space<vmem>>) semaphore(%arg18 : memref<!tpu.dma_semaphore, #tpu.memory_space<semaphore_mem>>)
      %dma_start3A_115 = arith.constant 0 : i32
      %dma_start3A_116 = arith.constant 0 : i32
      %dma_start3A_117 = tpu.memref_slice %arg3[%dma_start3A_115, %dma_start3A_116] : memref<32768x32xf32, #tpu.memory_space<hbm>> -> memref<32768x32xf32, #tpu.memory_space<hbm>>
      tpu.enqueue_indirect_dma source(%dma_start3A_117 : memref<32768x32xf32, #tpu.memory_space<hbm>>) target(%arg12 : memref<256x32xf32, #tpu.memory_space<vmem>>) offsets(%arg10 : memref<256xi32, #tpu.memory_space<vmem>>) semaphore(%arg18 : memref<!tpu.dma_semaphore, #tpu.memory_space<semaphore_mem>>)
      %dma_wait3A_118 = arith.constant 0 : i32
      %dma_wait3A_119 = arith.constant 0 : i32
      %dma_wait3A_120 = tpu.memref_slice %arg2[%dma_wait3A_118, %dma_wait3A_119] : memref<1000000x128xf32, #tpu.memory_space<hbm>> -> memref<1000000x128xf32, #tpu.memory_space<hbm>>
      tpu.wait_indirect_dma semaphore(%arg17 : memref<!tpu.dma_semaphore, #tpu.memory_space<semaphore_mem>>) src(%dma_wait3A_120 : memref<1000000x128xf32, #tpu.memory_space<hbm>>) dst(%arg13 : memref<256x128xf32, #tpu.memory_space<vmem>>)
      %dma_wait3A_121 = arith.constant 0 : i32
      %dma_wait3A_122 = arith.constant 0 : i32
      %dma_wait3A_123 = tpu.memref_slice %arg3[%dma_wait3A_121, %dma_wait3A_122] : memref<32768x32xf32, #tpu.memory_space<hbm>> -> memref<32768x32xf32, #tpu.memory_space<hbm>>
      tpu.wait_indirect_dma semaphore(%arg17 : memref<!tpu.dma_semaphore, #tpu.memory_space<semaphore_mem>>) src(%dma_wait3A_123 : memref<32768x32xf32, #tpu.memory_space<hbm>>) dst(%arg11 : memref<256x32xf32, #tpu.memory_space<vmem>>)
      %lt3A = arith.constant 98 : i32
      %lt3A_124 = arith.cmpi slt, %add3A_100, %lt3A : i32
      %convert_element_type3A_125 = arith.extui %lt3A_124 : i1 to i32
      %cond3A_126 = arith.constant 0 : i32
      %cond3A_127 = arith.cmpi ne, %convert_element_type3A_125, %cond3A_126 : i32
      scf.if %cond3A_127 {
        %add3A_189 = arith.constant 2 : i32
        %add3A_190 = arith.addi %add3A_100, %add3A_189 : i32
        %mul3A_191 = arith.constant 256 : i32
        %mul3A_192 = arith.muli %add3A_190, %mul3A_191 : i32
        %add3A_193 = arith.addi %mul3A_2, %mul3A_192 : i32
        %dma_start3A_194 = tpu.memref_slice %arg4[%add3A_193] : memref<819200xi32, #tpu.memory_space<hbm>> -> memref<256xi32, #tpu.memory_space<hbm>>
        %dma_start3A_195 = tpu.memref_slice %arg4[%add3A_193] : memref<819200xi32, #tpu.memory_space<hbm>> -> memref<256xi32, #tpu.memory_space<hbm>>
        tpu.enqueue_dma source(%dma_start3A_195 : memref<256xi32, #tpu.memory_space<hbm>>) target(%arg7 : memref<256xi32, #tpu.memory_space<vmem>>) target_semaphore(%arg15 : memref<!tpu.dma_semaphore, #tpu.memory_space<semaphore_mem>>)
        %dma_start3A_196 = tpu.memref_slice %arg5[%add3A_193] : memref<819200xi32, #tpu.memory_space<hbm>> -> memref<256xi32, #tpu.memory_space<hbm>>
        %dma_start3A_197 = tpu.memref_slice %arg5[%add3A_193] : memref<819200xi32, #tpu.memory_space<hbm>> -> memref<256xi32, #tpu.memory_space<hbm>>
        tpu.enqueue_dma source(%dma_start3A_197 : memref<256xi32, #tpu.memory_space<hbm>>) target(%arg9 : memref<256xi32, #tpu.memory_space<vmem>>) target_semaphore(%arg15 : memref<!tpu.dma_semaphore, #tpu.memory_space<semaphore_mem>>)
      } else {
      }
      %scan3A_128 = arith.constant 0 : i32
      %scan3A_129 = arith.constant 0 : i32
      %scan3A_130 = arith.constant 32 : i32
      %scan3A_131 = arith.addi %scan3A_129, %scan3A_130 : i32
      %scan3A_132 = arith.constant 1 : i32
      scf.for %scan3A_189 = %scan3A_129 to %scan3A_131 step %scan3A_132  : i32 {
        %mul3A_190 = arith.constant 8 : i32
        %mul3A_191 = arith.muli %scan3A_189, %mul3A_190 : i32
        %add3A_192 = arith.constant 0 : i32
        %add3A_193 = arith.addi %mul3A_191, %add3A_192 : i32
        %get3A = arith.index_cast %add3A_193 : i32 to index
        %get3A_194 = arith.constant 0 : index
        %get3A_195 = tpu.vector_load %arg11[%get3A, %get3A_194] {strides = array<i32>} : memref<256x32xf32, #tpu.memory_space<vmem>>, vector<1x16xf32>,
        %get3A_196 = vector.shape_cast %get3A_195 : vector<1x16xf32> to vector<16xf32>
        %swap3A = arith.index_cast %add3A_193 : i32 to index
        %swap3A_197 = arith.constant 64 : index
        %swap3A_198 = tpu.vector_load %arg13[%swap3A, %swap3A_197] {strides = array<i32>} : memref<256x128xf32, #tpu.memory_space<vmem>>, vector<1x16xf32>,
        %swap3A_199 = vector.shape_cast %swap3A_198 : vector<1x16xf32> to vector<16xf32>
        %swap3A_200 = vector.shape_cast %get3A_196 : vector<16xf32> to vector<1x16xf32>
        tpu.vector_store %arg13[%swap3A, %swap3A_197], %swap3A_200 {strides = array<i32>} : memref<256x128xf32, #tpu.memory_space<vmem>>, vector<1x16xf32>,
        %get3A_201 = arith.index_cast %add3A_193 : i32 to index
        %get3A_202 = arith.constant 16 : index
        %get3A_203 = tpu.vector_load %arg11[%get3A_201, %get3A_202] {strides = array<i32>} : memref<256x32xf32, #tpu.memory_space<vmem>>, vector<1x16xf32>,
        %get3A_204 = vector.shape_cast %get3A_203 : vector<1x16xf32> to vector<16xf32>
        %swap3A_205 = arith.index_cast %add3A_193 : i32 to index
        %swap3A_206 = arith.constant 80 : index
        %swap3A_207 = tpu.vector_load %arg13[%swap3A_205, %swap3A_206] {strides = array<i32>} : memref<256x128xf32, #tpu.memory_space<vmem>>, vector<1x16xf32>,
        %swap3A_208 = vector.shape_cast %swap3A_207 : vector<1x16xf32> to vector<16xf32>
        %swap3A_209 = vector.shape_cast %get3A_204 : vector<16xf32> to vector<1x16xf32>
        tpu.vector_store %arg13[%swap3A_205, %swap3A_206], %swap3A_209 {strides = array<i32>} : memref<256x128xf32, #tpu.memory_space<vmem>>, vector<1x16xf32>,
        %add3A_210 = arith.constant 1 : i32
        %add3A_211 = arith.addi %mul3A_191, %add3A_210 : i32
        %get3A_212 = arith.index_cast %add3A_211 : i32 to index
        %get3A_213 = arith.constant 0 : index
        %get3A_214 = tpu.vector_load %arg11[%get3A_212, %get3A_213] {strides = array<i32>} : memref<256x32xf32, #tpu.memory_space<vmem>>, vector<1x16xf32>,
        %get3A_215 = vector.shape_cast %get3A_214 : vector<1x16xf32> to vector<16xf32>
        %swap3A_216 = arith.index_cast %add3A_211 : i32 to index
        %swap3A_217 = arith.constant 64 : index
        %swap3A_218 = tpu.vector_load %arg13[%swap3A_216, %swap3A_217] {strides = array<i32>} : memref<256x128xf32, #tpu.memory_space<vmem>>, vector<1x16xf32>,
        %swap3A_219 = vector.shape_cast %swap3A_218 : vector<1x16xf32> to vector<16xf32>
        %swap3A_220 = vector.shape_cast %get3A_215 : vector<16xf32> to vector<1x16xf32>
        tpu.vector_store %arg13[%swap3A_216, %swap3A_217], %swap3A_220 {strides = array<i32>} : memref<256x128xf32, #tpu.memory_space<vmem>>, vector<1x16xf32>,
        %get3A_221 = arith.index_cast %add3A_211 : i32 to index
        %get3A_222 = arith.constant 16 : index
        %get3A_223 = tpu.vector_load %arg11[%get3A_221, %get3A_222] {strides = array<i32>} : memref<256x32xf32, #tpu.memory_space<vmem>>, vector<1x16xf32>,
        %get3A_224 = vector.shape_cast %get3A_223 : vector<1x16xf32> to vector<16xf32>
        %swap3A_225 = arith.index_cast %add3A_211 : i32 to index
        %swap3A_226 = arith.constant 80 : index
        %swap3A_227 = tpu.vector_load %arg13[%swap3A_225, %swap3A_226] {strides = array<i32>} : memref<256x128xf32, #tpu.memory_space<vmem>>, vector<1x16xf32>,
        %swap3A_228 = vector.shape_cast %swap3A_227 : vector<1x16xf32> to vector<16xf32>
        %swap3A_229 = vector.shape_cast %get3A_224 : vector<16xf32> to vector<1x16xf32>
        tpu.vector_store %arg13[%swap3A_225, %swap3A_226], %swap3A_229 {strides = array<i32>} : memref<256x128xf32, #tpu.memory_space<vmem>>, vector<1x16xf32>,
        %add3A_230 = arith.constant 2 : i32
        %add3A_231 = arith.addi %mul3A_191, %add3A_230 : i32
        %get3A_232 = arith.index_cast %add3A_231 : i32 to index
        %get3A_233 = arith.constant 0 : index
        %get3A_234 = tpu.vector_load %arg11[%get3A_232, %get3A_233] {strides = array<i32>} : memref<256x32xf32, #tpu.memory_space<vmem>>, vector<1x16xf32>,
        %get3A_235 = vector.shape_cast %get3A_234 : vector<1x16xf32> to vector<16xf32>
        %swap3A_236 = arith.index_cast %add3A_231 : i32 to index
        %swap3A_237 = arith.constant 64 : index
        %swap3A_238 = tpu.vector_load %arg13[%swap3A_236, %swap3A_237] {strides = array<i32>} : memref<256x128xf32, #tpu.memory_space<vmem>>, vector<1x16xf32>,
        %swap3A_239 = vector.shape_cast %swap3A_238 : vector<1x16xf32> to vector<16xf32>
        %swap3A_240 = vector.shape_cast %get3A_235 : vector<16xf32> to vector<1x16xf32>
        tpu.vector_store %arg13[%swap3A_236, %swap3A_237], %swap3A_240 {strides = array<i32>} : memref<256x128xf32, #tpu.memory_space<vmem>>, vector<1x16xf32>,
        %get3A_241 = arith.index_cast %add3A_231 : i32 to index
        %get3A_242 = arith.constant 16 : index
        %get3A_243 = tpu.vector_load %arg11[%get3A_241, %get3A_242] {strides = array<i32>} : memref<256x32xf32, #tpu.memory_space<vmem>>, vector<1x16xf32>,
        %get3A_244 = vector.shape_cast %get3A_243 : vector<1x16xf32> to vector<16xf32>
        %swap3A_245 = arith.index_cast %add3A_231 : i32 to index
        %swap3A_246 = arith.constant 80 : index
        %swap3A_247 = tpu.vector_load %arg13[%swap3A_245, %swap3A_246] {strides = array<i32>} : memref<256x128xf32, #tpu.memory_space<vmem>>, vector<1x16xf32>,
        %swap3A_248 = vector.shape_cast %swap3A_247 : vector<1x16xf32> to vector<16xf32>
        %swap3A_249 = vector.shape_cast %get3A_244 : vector<16xf32> to vector<1x16xf32>
        tpu.vector_store %arg13[%swap3A_245, %swap3A_246], %swap3A_249 {strides = array<i32>} : memref<256x128xf32, #tpu.memory_space<vmem>>, vector<1x16xf32>,
        %add3A_250 = arith.constant 3 : i32
        %add3A_251 = arith.addi %mul3A_191, %add3A_250 : i32
        %get3A_252 = arith.index_cast %add3A_251 : i32 to index
        %get3A_253 = arith.constant 0 : index
        %get3A_254 = tpu.vector_load %arg11[%get3A_252, %get3A_253] {strides = array<i32>} : memref<256x32xf32, #tpu.memory_space<vmem>>, vector<1x16xf32>,
        %get3A_255 = vector.shape_cast %get3A_254 : vector<1x16xf32> to vector<16xf32>
        %swap3A_256 = arith.index_cast %add3A_251 : i32 to index
        %swap3A_257 = arith.constant 64 : index
        %swap3A_258 = tpu.vector_load %arg13[%swap3A_256, %swap3A_257] {strides = array<i32>} : memref<256x128xf32, #tpu.memory_space<vmem>>, vector<1x16xf32>,
        %swap3A_259 = vector.shape_cast %swap3A_258 : vector<1x16xf32> to vector<16xf32>
        %swap3A_260 = vector.shape_cast %get3A_255 : vector<16xf32> to vector<1x16xf32>
        tpu.vector_store %arg13[%swap3A_256, %swap3A_257], %swap3A_260 {strides = array<i32>} : memref<256x128xf32, #tpu.memory_space<vmem>>, vector<1x16xf32>,
        %get3A_261 = arith.index_cast %add3A_251 : i32 to index
        %get3A_262 = arith.constant 16 : index
        %get3A_263 = tpu.vector_load %arg11[%get3A_261, %get3A_262] {strides = array<i32>} : memref<256x32xf32, #tpu.memory_space<vmem>>, vector<1x16xf32>,
        %get3A_264 = vector.shape_cast %get3A_263 : vector<1x16xf32> to vector<16xf32>
        %swap3A_265 = arith.index_cast %add3A_251 : i32 to index
        %swap3A_266 = arith.constant 80 : index
        %swap3A_267 = tpu.vector_load %arg13[%swap3A_265, %swap3A_266] {strides = array<i32>} : memref<256x128xf32, #tpu.memory_space<vmem>>, vector<1x16xf32>,
        %swap3A_268 = vector.shape_cast %swap3A_267 : vector<1x16xf32> to vector<16xf32>
        %swap3A_269 = vector.shape_cast %get3A_264 : vector<16xf32> to vector<1x16xf32>
        tpu.vector_store %arg13[%swap3A_265, %swap3A_266], %swap3A_269 {strides = array<i32>} : memref<256x128xf32, #tpu.memory_space<vmem>>, vector<1x16xf32>,
        %add3A_270 = arith.constant 4 : i32
        %add3A_271 = arith.addi %mul3A_191, %add3A_270 : i32
        %get3A_272 = arith.index_cast %add3A_271 : i32 to index
        %get3A_273 = arith.constant 0 : index
        %get3A_274 = tpu.vector_load %arg11[%get3A_272, %get3A_273] {strides = array<i32>} : memref<256x32xf32, #tpu.memory_space<vmem>>, vector<1x16xf32>,
        %get3A_275 = vector.shape_cast %get3A_274 : vector<1x16xf32> to vector<16xf32>
        %swap3A_276 = arith.index_cast %add3A_271 : i32 to index
        %swap3A_277 = arith.constant 64 : index
        %swap3A_278 = tpu.vector_load %arg13[%swap3A_276, %swap3A_277] {strides = array<i32>} : memref<256x128xf32, #tpu.memory_space<vmem>>, vector<1x16xf32>,
        %swap3A_279 = vector.shape_cast %swap3A_278 : vector<1x16xf32> to vector<16xf32>
        %swap3A_280 = vector.shape_cast %get3A_275 : vector<16xf32> to vector<1x16xf32>
        tpu.vector_store %arg13[%swap3A_276, %swap3A_277], %swap3A_280 {strides = array<i32>} : memref<256x128xf32, #tpu.memory_space<vmem>>, vector<1x16xf32>,
        %get3A_281 = arith.index_cast %add3A_271 : i32 to index
        %get3A_282 = arith.constant 16 : index
        %get3A_283 = tpu.vector_load %arg11[%get3A_281, %get3A_282] {strides = array<i32>} : memref<256x32xf32, #tpu.memory_space<vmem>>, vector<1x16xf32>,
        %get3A_284 = vector.shape_cast %get3A_283 : vector<1x16xf32> to vector<16xf32>
        %swap3A_285 = arith.index_cast %add3A_271 : i32 to index
        %swap3A_286 = arith.constant 80 : index
        %swap3A_287 = tpu.vector_load %arg13[%swap3A_285, %swap3A_286] {strides = array<i32>} : memref<256x128xf32, #tpu.memory_space<vmem>>, vector<1x16xf32>,
        %swap3A_288 = vector.shape_cast %swap3A_287 : vector<1x16xf32> to vector<16xf32>
        %swap3A_289 = vector.shape_cast %get3A_284 : vector<16xf32> to vector<1x16xf32>
        tpu.vector_store %arg13[%swap3A_285, %swap3A_286], %swap3A_289 {strides = array<i32>} : memref<256x128xf32, #tpu.memory_space<vmem>>, vector<1x16xf32>,
        %add3A_290 = arith.constant 5 : i32
        %add3A_291 = arith.addi %mul3A_191, %add3A_290 : i32
        %get3A_292 = arith.index_cast %add3A_291 : i32 to index
        %get3A_293 = arith.constant 0 : index
        %get3A_294 = tpu.vector_load %arg11[%get3A_292, %get3A_293] {strides = array<i32>} : memref<256x32xf32, #tpu.memory_space<vmem>>, vector<1x16xf32>,
        %get3A_295 = vector.shape_cast %get3A_294 : vector<1x16xf32> to vector<16xf32>
        %swap3A_296 = arith.index_cast %add3A_291 : i32 to index
        %swap3A_297 = arith.constant 64 : index
        %swap3A_298 = tpu.vector_load %arg13[%swap3A_296, %swap3A_297] {strides = array<i32>} : memref<256x128xf32, #tpu.memory_space<vmem>>, vector<1x16xf32>,
        %swap3A_299 = vector.shape_cast %swap3A_298 : vector<1x16xf32> to vector<16xf32>
        %swap3A_300 = vector.shape_cast %get3A_295 : vector<16xf32> to vector<1x16xf32>
        tpu.vector_store %arg13[%swap3A_296, %swap3A_297], %swap3A_300 {strides = array<i32>} : memref<256x128xf32, #tpu.memory_space<vmem>>, vector<1x16xf32>,
        %get3A_301 = arith.index_cast %add3A_291 : i32 to index
        %get3A_302 = arith.constant 16 : index
        %get3A_303 = tpu.vector_load %arg11[%get3A_301, %get3A_302] {strides = array<i32>} : memref<256x32xf32, #tpu.memory_space<vmem>>, vector<1x16xf32>,
        %get3A_304 = vector.shape_cast %get3A_303 : vector<1x16xf32> to vector<16xf32>
        %swap3A_305 = arith.index_cast %add3A_291 : i32 to index
        %swap3A_306 = arith.constant 80 : index
        %swap3A_307 = tpu.vector_load %arg13[%swap3A_305, %swap3A_306] {strides = array<i32>} : memref<256x128xf32, #tpu.memory_space<vmem>>, vector<1x16xf32>,
        %swap3A_308 = vector.shape_cast %swap3A_307 : vector<1x16xf32> to vector<16xf32>
        %swap3A_309 = vector.shape_cast %get3A_304 : vector<16xf32> to vector<1x16xf32>
        tpu.vector_store %arg13[%swap3A_305, %swap3A_306], %swap3A_309 {strides = array<i32>} : memref<256x128xf32, #tpu.memory_space<vmem>>, vector<1x16xf32>,
        %add3A_310 = arith.constant 6 : i32
        %add3A_311 = arith.addi %mul3A_191, %add3A_310 : i32
        %get3A_312 = arith.index_cast %add3A_311 : i32 to index
        %get3A_313 = arith.constant 0 : index
        %get3A_314 = tpu.vector_load %arg11[%get3A_312, %get3A_313] {strides = array<i32>} : memref<256x32xf32, #tpu.memory_space<vmem>>, vector<1x16xf32>,
        %get3A_315 = vector.shape_cast %get3A_314 : vector<1x16xf32> to vector<16xf32>
        %swap3A_316 = arith.index_cast %add3A_311 : i32 to index
        %swap3A_317 = arith.constant 64 : index
        %swap3A_318 = tpu.vector_load %arg13[%swap3A_316, %swap3A_317] {strides = array<i32>} : memref<256x128xf32, #tpu.memory_space<vmem>>, vector<1x16xf32>,
        %swap3A_319 = vector.shape_cast %swap3A_318 : vector<1x16xf32> to vector<16xf32>
        %swap3A_320 = vector.shape_cast %get3A_315 : vector<16xf32> to vector<1x16xf32>
        tpu.vector_store %arg13[%swap3A_316, %swap3A_317], %swap3A_320 {strides = array<i32>} : memref<256x128xf32, #tpu.memory_space<vmem>>, vector<1x16xf32>,
        %get3A_321 = arith.index_cast %add3A_311 : i32 to index
        %get3A_322 = arith.constant 16 : index
        %get3A_323 = tpu.vector_load %arg11[%get3A_321, %get3A_322] {strides = array<i32>} : memref<256x32xf32, #tpu.memory_space<vmem>>, vector<1x16xf32>,
        %get3A_324 = vector.shape_cast %get3A_323 : vector<1x16xf32> to vector<16xf32>
        %swap3A_325 = arith.index_cast %add3A_311 : i32 to index
        %swap3A_326 = arith.constant 80 : index
        %swap3A_327 = tpu.vector_load %arg13[%swap3A_325, %swap3A_326] {strides = array<i32>} : memref<256x128xf32, #tpu.memory_space<vmem>>, vector<1x16xf32>,
        %swap3A_328 = vector.shape_cast %swap3A_327 : vector<1x16xf32> to vector<16xf32>
        %swap3A_329 = vector.shape_cast %get3A_324 : vector<16xf32> to vector<1x16xf32>
        tpu.vector_store %arg13[%swap3A_325, %swap3A_326], %swap3A_329 {strides = array<i32>} : memref<256x128xf32, #tpu.memory_space<vmem>>, vector<1x16xf32>,
        %add3A_330 = arith.constant 7 : i32
        %add3A_331 = arith.addi %mul3A_191, %add3A_330 : i32
        %get3A_332 = arith.index_cast %add3A_331 : i32 to index
        %get3A_333 = arith.constant 0 : index
        %get3A_334 = tpu.vector_load %arg11[%get3A_332, %get3A_333] {strides = array<i32>} : memref<256x32xf32, #tpu.memory_space<vmem>>, vector<1x16xf32>,
        %get3A_335 = vector.shape_cast %get3A_334 : vector<1x16xf32> to vector<16xf32>
        %swap3A_336 = arith.index_cast %add3A_331 : i32 to index
        %swap3A_337 = arith.constant 64 : index
        %swap3A_338 = tpu.vector_load %arg13[%swap3A_336, %swap3A_337] {strides = array<i32>} : memref<256x128xf32, #tpu.memory_space<vmem>>, vector<1x16xf32>,
        %swap3A_339 = vector.shape_cast %swap3A_338 : vector<1x16xf32> to vector<16xf32>
        %swap3A_340 = vector.shape_cast %get3A_335 : vector<16xf32> to vector<1x16xf32>
        tpu.vector_store %arg13[%swap3A_336, %swap3A_337], %swap3A_340 {strides = array<i32>} : memref<256x128xf32, #tpu.memory_space<vmem>>, vector<1x16xf32>,
        %get3A_341 = arith.index_cast %add3A_331 : i32 to index
        %get3A_342 = arith.constant 16 : index
        %get3A_343 = tpu.vector_load %arg11[%get3A_341, %get3A_342] {strides = array<i32>} : memref<256x32xf32, #tpu.memory_space<vmem>>, vector<1x16xf32>,
        %get3A_344 = vector.shape_cast %get3A_343 : vector<1x16xf32> to vector<16xf32>
        %swap3A_345 = arith.index_cast %add3A_331 : i32 to index
        %swap3A_346 = arith.constant 80 : index
        %swap3A_347 = tpu.vector_load %arg13[%swap3A_345, %swap3A_346] {strides = array<i32>} : memref<256x128xf32, #tpu.memory_space<vmem>>, vector<1x16xf32>,
        %swap3A_348 = vector.shape_cast %swap3A_347 : vector<1x16xf32> to vector<16xf32>
        %swap3A_349 = vector.shape_cast %get3A_344 : vector<16xf32> to vector<1x16xf32>
        tpu.vector_store %arg13[%swap3A_345, %swap3A_346], %swap3A_349 {strides = array<i32>} : memref<256x128xf32, #tpu.memory_space<vmem>>, vector<1x16xf32>,
      }
      %scan3A_133 = arith.constant 32 : i32
      %mul3A_134 = arith.constant 256 : i32
      %mul3A_135 = arith.muli %add3A_100, %mul3A_134 : i32
      %add3A_136 = arith.addi %mul3A_2, %mul3A_135 : i32
      %dma_start3A_137 = arith.constant 0 : i32
      %dma_start3A_138 = tpu.memref_slice %arg6[%add3A_136, %dma_start3A_137] : memref<819200x128xf32, #tpu.memory_space<hbm>> -> memref<256x128xf32, #tpu.memory_space<hbm>>
      %dma_start3A_139 = arith.constant 0 : i32
      %dma_start3A_140 = tpu.memref_slice %arg6[%add3A_136, %dma_start3A_139] : memref<819200x128xf32, #tpu.memory_space<hbm>> -> memref<256x128xf32, #tpu.memory_space<hbm>>
      tpu.enqueue_dma source(%arg13 : memref<256x128xf32, #tpu.memory_space<vmem>>) target(%dma_start3A_140 : memref<256x128xf32, #tpu.memory_space<hbm>>) target_semaphore(%arg19 : memref<!tpu.dma_semaphore, #tpu.memory_space<semaphore_mem>>)
      %mul3A_141 = arith.constant 2 : i32
      %mul3A_142 = arith.muli %mul3A_141, %scan3A_96 : i32
      %add3A_143 = arith.constant 1 : i32
      %add3A_144 = arith.addi %mul3A_142, %add3A_143 : i32
      %ge3A_145 = arith.constant 1 : i32
      %ge3A_146 = arith.cmpi sge, %add3A_144, %ge3A_145 : i32
      %convert_element_type3A_147 = arith.extui %ge3A_146 : i1 to i32
      %cond3A_148 = arith.constant 0 : i32
      %cond3A_149 = arith.cmpi ne, %convert_element_type3A_147, %cond3A_148 : i32
      scf.if %cond3A_149 {
        %sub3A = arith.constant 1 : i32
        %sub3A_189 = arith.subi %add3A_144, %sub3A : i32
        %mul3A_190 = arith.constant 256 : i32
        %mul3A_191 = arith.muli %sub3A_189, %mul3A_190 : i32
        %add3A_192 = arith.addi %mul3A_2, %mul3A_191 : i32
        %dma_wait3A_193 = arith.constant 0 : i32
        %dma_wait3A_194 = tpu.memref_slice %arg6[%add3A_192, %dma_wait3A_193] : memref<819200x128xf32, #tpu.memory_space<hbm>> -> memref<256x128xf32, #tpu.memory_space<hbm>>
        %dma_wait3A_195 = arith.constant 0 : i32
        %dma_wait3A_196 = tpu.memref_slice %arg6[%add3A_192, %dma_wait3A_195] : memref<819200x128xf32, #tpu.memory_space<hbm>> -> memref<256x128xf32, #tpu.memory_space<hbm>>
        tpu.wait_dma2 semaphore(%arg19 : memref<!tpu.dma_semaphore, #tpu.memory_space<semaphore_mem>>) src(%arg13 : memref<256x128xf32, #tpu.memory_space<vmem>>) dst(%dma_wait3A_196 : memref<256x128xf32, #tpu.memory_space<hbm>>)
      } else {
      }
      %add3A_150 = arith.constant 1 : i32
      %add3A_151 = arith.addi %add3A_144, %add3A_150 : i32
      %mul3A_152 = arith.constant 256 : i32
      %mul3A_153 = arith.muli %add3A_151, %mul3A_152 : i32
      %add3A_154 = arith.addi %mul3A_2, %mul3A_153 : i32
      %dma_wait3A_155 = tpu.memref_slice %arg4[%add3A_154] : memref<819200xi32, #tpu.memory_space<hbm>> -> memref<256xi32, #tpu.memory_space<hbm>>
      %dma_wait3A_156 = tpu.memref_slice %arg4[%add3A_154] : memref<819200xi32, #tpu.memory_space<hbm>> -> memref<256xi32, #tpu.memory_space<hbm>>
      tpu.wait_dma2 semaphore(%arg15 : memref<!tpu.dma_semaphore, #tpu.memory_space<semaphore_mem>>) src(%dma_wait3A_156 : memref<256xi32, #tpu.memory_space<hbm>>) dst(%arg7 : memref<256xi32, #tpu.memory_space<vmem>>)
      %dma_wait3A_157 = tpu.memref_slice %arg5[%add3A_154] : memref<819200xi32, #tpu.memory_space<hbm>> -> memref<256xi32, #tpu.memory_space<hbm>>
      %dma_wait3A_158 = tpu.memref_slice %arg5[%add3A_154] : memref<819200xi32, #tpu.memory_space<hbm>> -> memref<256xi32, #tpu.memory_space<hbm>>
      tpu.wait_dma2 semaphore(%arg15 : memref<!tpu.dma_semaphore, #tpu.memory_space<semaphore_mem>>) src(%dma_wait3A_158 : memref<256xi32, #tpu.memory_space<hbm>>) dst(%arg9 : memref<256xi32, #tpu.memory_space<vmem>>)
      %dma_start3A_159 = arith.constant 0 : i32
      %dma_start3A_160 = arith.constant 0 : i32
      %dma_start3A_161 = tpu.memref_slice %arg2[%dma_start3A_159, %dma_start3A_160] : memref<1000000x128xf32, #tpu.memory_space<hbm>> -> memref<1000000x128xf32, #tpu.memory_space<hbm>>
      tpu.enqueue_indirect_dma source(%dma_start3A_161 : memref<1000000x128xf32, #tpu.memory_space<hbm>>) target(%arg13 : memref<256x128xf32, #tpu.memory_space<vmem>>) offsets(%arg7 : memref<256xi32, #tpu.memory_space<vmem>>) semaphore(%arg17 : memref<!tpu.dma_semaphore, #tpu.memory_space<semaphore_mem>>)
      %dma_start3A_162 = arith.constant 0 : i32
      %dma_start3A_163 = arith.constant 0 : i32
      %dma_start3A_164 = tpu.memref_slice %arg3[%dma_start3A_162, %dma_start3A_163] : memref<32768x32xf32, #tpu.memory_space<hbm>> -> memref<32768x32xf32, #tpu.memory_space<hbm>>
      tpu.enqueue_indirect_dma source(%dma_start3A_164 : memref<32768x32xf32, #tpu.memory_space<hbm>>) target(%arg11 : memref<256x32xf32, #tpu.memory_space<vmem>>) offsets(%arg9 : memref<256xi32, #tpu.memory_space<vmem>>) semaphore(%arg17 : memref<!tpu.dma_semaphore, #tpu.memory_space<semaphore_mem>>)
      %dma_wait3A_165 = arith.constant 0 : i32
      %dma_wait3A_166 = arith.constant 0 : i32
      %dma_wait3A_167 = tpu.memref_slice %arg2[%dma_wait3A_165, %dma_wait3A_166] : memref<1000000x128xf32, #tpu.memory_space<hbm>> -> memref<1000000x128xf32, #tpu.memory_space<hbm>>
      tpu.wait_indirect_dma semaphore(%arg18 : memref<!tpu.dma_semaphore, #tpu.memory_space<semaphore_mem>>) src(%dma_wait3A_167 : memref<1000000x128xf32, #tpu.memory_space<hbm>>) dst(%arg14 : memref<256x128xf32, #tpu.memory_space<vmem>>)
      %dma_wait3A_168 = arith.constant 0 : i32
      %dma_wait3A_169 = arith.constant 0 : i32
      %dma_wait3A_170 = tpu.memref_slice %arg3[%dma_wait3A_168, %dma_wait3A_169] : memref<32768x32xf32, #tpu.memory_space<hbm>> -> memref<32768x32xf32, #tpu.memory_space<hbm>>
      tpu.wait_indirect_dma semaphore(%arg18 : memref<!tpu.dma_semaphore, #tpu.memory_space<semaphore_mem>>) src(%dma_wait3A_170 : memref<32768x32xf32, #tpu.memory_space<hbm>>) dst(%arg12 : memref<256x32xf32, #tpu.memory_space<vmem>>)
      %lt3A_171 = arith.constant 98 : i32
      %lt3A_172 = arith.cmpi slt, %add3A_144, %lt3A_171 : i32
      %convert_element_type3A_173 = arith.extui %lt3A_172 : i1 to i32
      %cond3A_174 = arith.constant 0 : i32
      %cond3A_175 = arith.cmpi ne, %convert_element_type3A_173, %cond3A_174 : i32
      scf.if %cond3A_175 {
        %add3A_189 = arith.constant 2 : i32
        %add3A_190 = arith.addi %add3A_144, %add3A_189 : i32
        %mul3A_191 = arith.constant 256 : i32
        %mul3A_192 = arith.muli %add3A_190, %mul3A_191 : i32
        %add3A_193 = arith.addi %mul3A_2, %mul3A_192 : i32
        %dma_start3A_194 = tpu.memref_slice %arg4[%add3A_193] : memref<819200xi32, #tpu.memory_space<hbm>> -> memref<256xi32, #tpu.memory_space<hbm>>
        %dma_start3A_195 = tpu.memref_slice %arg4[%add3A_193] : memref<819200xi32, #tpu.memory_space<hbm>> -> memref<256xi32, #tpu.memory_space<hbm>>
        tpu.enqueue_dma source(%dma_start3A_195 : memref<256xi32, #tpu.memory_space<hbm>>) target(%arg8 : memref<256xi32, #tpu.memory_space<vmem>>) target_semaphore(%arg16 : memref<!tpu.dma_semaphore, #tpu.memory_space<semaphore_mem>>)
        %dma_start3A_196 = tpu.memref_slice %arg5[%add3A_193] : memref<819200xi32, #tpu.memory_space<hbm>> -> memref<256xi32, #tpu.memory_space<hbm>>
        %dma_start3A_197 = tpu.memref_slice %arg5[%add3A_193] : memref<819200xi32, #tpu.memory_space<hbm>> -> memref<256xi32, #tpu.memory_space<hbm>>
        tpu.enqueue_dma source(%dma_start3A_197 : memref<256xi32, #tpu.memory_space<hbm>>) target(%arg10 : memref<256xi32, #tpu.memory_space<vmem>>) target_semaphore(%arg16 : memref<!tpu.dma_semaphore, #tpu.memory_space<semaphore_mem>>)
      } else {
      }
      %scan3A_176 = arith.constant 0 : i32
      %scan3A_177 = arith.constant 0 : i32
      %scan3A_178 = arith.constant 32 : i32
      %scan3A_179 = arith.addi %scan3A_177, %scan3A_178 : i32
      %scan3A_180 = arith.constant 1 : i32
      scf.for %scan3A_189 = %scan3A_177 to %scan3A_179 step %scan3A_180  : i32 {
        %mul3A_190 = arith.constant 8 : i32
        %mul3A_191 = arith.muli %scan3A_189, %mul3A_190 : i32
        %add3A_192 = arith.constant 0 : i32
        %add3A_193 = arith.addi %mul3A_191, %add3A_192 : i32
        %get3A = arith.index_cast %add3A_193 : i32 to index
        %get3A_194 = arith.constant 0 : index
        %get3A_195 = tpu.vector_load %arg12[%get3A, %get3A_194] {strides = array<i32>} : memref<256x32xf32, #tpu.memory_space<vmem>>, vector<1x16xf32>,
        %get3A_196 = vector.shape_cast %get3A_195 : vector<1x16xf32> to vector<16xf32>
        %swap3A = arith.index_cast %add3A_193 : i32 to index
        %swap3A_197 = arith.constant 64 : index
        %swap3A_198 = tpu.vector_load %arg14[%swap3A, %swap3A_197] {strides = array<i32>} : memref<256x128xf32, #tpu.memory_space<vmem>>, vector<1x16xf32>,
        %swap3A_199 = vector.shape_cast %swap3A_198 : vector<1x16xf32> to vector<16xf32>
        %swap3A_200 = vector.shape_cast %get3A_196 : vector<16xf32> to vector<1x16xf32>
        tpu.vector_store %arg14[%swap3A, %swap3A_197], %swap3A_200 {strides = array<i32>} : memref<256x128xf32, #tpu.memory_space<vmem>>, vector<1x16xf32>,
        %get3A_201 = arith.index_cast %add3A_193 : i32 to index
        %get3A_202 = arith.constant 16 : index
        %get3A_203 = tpu.vector_load %arg12[%get3A_201, %get3A_202] {strides = array<i32>} : memref<256x32xf32, #tpu.memory_space<vmem>>, vector<1x16xf32>,
        %get3A_204 = vector.shape_cast %get3A_203 : vector<1x16xf32> to vector<16xf32>
        %swap3A_205 = arith.index_cast %add3A_193 : i32 to index
        %swap3A_206 = arith.constant 80 : index
        %swap3A_207 = tpu.vector_load %arg14[%swap3A_205, %swap3A_206] {strides = array<i32>} : memref<256x128xf32, #tpu.memory_space<vmem>>, vector<1x16xf32>,
        %swap3A_208 = vector.shape_cast %swap3A_207 : vector<1x16xf32> to vector<16xf32>
        %swap3A_209 = vector.shape_cast %get3A_204 : vector<16xf32> to vector<1x16xf32>
        tpu.vector_store %arg14[%swap3A_205, %swap3A_206], %swap3A_209 {strides = array<i32>} : memref<256x128xf32, #tpu.memory_space<vmem>>, vector<1x16xf32>,
        %add3A_210 = arith.constant 1 : i32
        %add3A_211 = arith.addi %mul3A_191, %add3A_210 : i32
        %get3A_212 = arith.index_cast %add3A_211 : i32 to index
        %get3A_213 = arith.constant 0 : index
        %get3A_214 = tpu.vector_load %arg12[%get3A_212, %get3A_213] {strides = array<i32>} : memref<256x32xf32, #tpu.memory_space<vmem>>, vector<1x16xf32>,
        %get3A_215 = vector.shape_cast %get3A_214 : vector<1x16xf32> to vector<16xf32>
        %swap3A_216 = arith.index_cast %add3A_211 : i32 to index
        %swap3A_217 = arith.constant 64 : index
        %swap3A_218 = tpu.vector_load %arg14[%swap3A_216, %swap3A_217] {strides = array<i32>} : memref<256x128xf32, #tpu.memory_space<vmem>>, vector<1x16xf32>,
        %swap3A_219 = vector.shape_cast %swap3A_218 : vector<1x16xf32> to vector<16xf32>
        %swap3A_220 = vector.shape_cast %get3A_215 : vector<16xf32> to vector<1x16xf32>
        tpu.vector_store %arg14[%swap3A_216, %swap3A_217], %swap3A_220 {strides = array<i32>} : memref<256x128xf32, #tpu.memory_space<vmem>>, vector<1x16xf32>,
        %get3A_221 = arith.index_cast %add3A_211 : i32 to index
        %get3A_222 = arith.constant 16 : index
        %get3A_223 = tpu.vector_load %arg12[%get3A_221, %get3A_222] {strides = array<i32>} : memref<256x32xf32, #tpu.memory_space<vmem>>, vector<1x16xf32>,
        %get3A_224 = vector.shape_cast %get3A_223 : vector<1x16xf32> to vector<16xf32>
        %swap3A_225 = arith.index_cast %add3A_211 : i32 to index
        %swap3A_226 = arith.constant 80 : index
        %swap3A_227 = tpu.vector_load %arg14[%swap3A_225, %swap3A_226] {strides = array<i32>} : memref<256x128xf32, #tpu.memory_space<vmem>>, vector<1x16xf32>,
        %swap3A_228 = vector.shape_cast %swap3A_227 : vector<1x16xf32> to vector<16xf32>
        %swap3A_229 = vector.shape_cast %get3A_224 : vector<16xf32> to vector<1x16xf32>
        tpu.vector_store %arg14[%swap3A_225, %swap3A_226], %swap3A_229 {strides = array<i32>} : memref<256x128xf32, #tpu.memory_space<vmem>>, vector<1x16xf32>,
        %add3A_230 = arith.constant 2 : i32
        %add3A_231 = arith.addi %mul3A_191, %add3A_230 : i32
        %get3A_232 = arith.index_cast %add3A_231 : i32 to index
        %get3A_233 = arith.constant 0 : index
        %get3A_234 = tpu.vector_load %arg12[%get3A_232, %get3A_233] {strides = array<i32>} : memref<256x32xf32, #tpu.memory_space<vmem>>, vector<1x16xf32>,
        %get3A_235 = vector.shape_cast %get3A_234 : vector<1x16xf32> to vector<16xf32>
        %swap3A_236 = arith.index_cast %add3A_231 : i32 to index
        %swap3A_237 = arith.constant 64 : index
        %swap3A_238 = tpu.vector_load %arg14[%swap3A_236, %swap3A_237] {strides = array<i32>} : memref<256x128xf32, #tpu.memory_space<vmem>>, vector<1x16xf32>,
        %swap3A_239 = vector.shape_cast %swap3A_238 : vector<1x16xf32> to vector<16xf32>
        %swap3A_240 = vector.shape_cast %get3A_235 : vector<16xf32> to vector<1x16xf32>
        tpu.vector_store %arg14[%swap3A_236, %swap3A_237], %swap3A_240 {strides = array<i32>} : memref<256x128xf32, #tpu.memory_space<vmem>>, vector<1x16xf32>,
        %get3A_241 = arith.index_cast %add3A_231 : i32 to index
        %get3A_242 = arith.constant 16 : index
        %get3A_243 = tpu.vector_load %arg12[%get3A_241, %get3A_242] {strides = array<i32>} : memref<256x32xf32, #tpu.memory_space<vmem>>, vector<1x16xf32>,
        %get3A_244 = vector.shape_cast %get3A_243 : vector<1x16xf32> to vector<16xf32>
        %swap3A_245 = arith.index_cast %add3A_231 : i32 to index
        %swap3A_246 = arith.constant 80 : index
        %swap3A_247 = tpu.vector_load %arg14[%swap3A_245, %swap3A_246] {strides = array<i32>} : memref<256x128xf32, #tpu.memory_space<vmem>>, vector<1x16xf32>,
        %swap3A_248 = vector.shape_cast %swap3A_247 : vector<1x16xf32> to vector<16xf32>
        %swap3A_249 = vector.shape_cast %get3A_244 : vector<16xf32> to vector<1x16xf32>
        tpu.vector_store %arg14[%swap3A_245, %swap3A_246], %swap3A_249 {strides = array<i32>} : memref<256x128xf32, #tpu.memory_space<vmem>>, vector<1x16xf32>,
        %add3A_250 = arith.constant 3 : i32
        %add3A_251 = arith.addi %mul3A_191, %add3A_250 : i32
        %get3A_252 = arith.index_cast %add3A_251 : i32 to index
        %get3A_253 = arith.constant 0 : index
        %get3A_254 = tpu.vector_load %arg12[%get3A_252, %get3A_253] {strides = array<i32>} : memref<256x32xf32, #tpu.memory_space<vmem>>, vector<1x16xf32>,
        %get3A_255 = vector.shape_cast %get3A_254 : vector<1x16xf32> to vector<16xf32>
        %swap3A_256 = arith.index_cast %add3A_251 : i32 to index
        %swap3A_257 = arith.constant 64 : index
        %swap3A_258 = tpu.vector_load %arg14[%swap3A_256, %swap3A_257] {strides = array<i32>} : memref<256x128xf32, #tpu.memory_space<vmem>>, vector<1x16xf32>,
        %swap3A_259 = vector.shape_cast %swap3A_258 : vector<1x16xf32> to vector<16xf32>
        %swap3A_260 = vector.shape_cast %get3A_255 : vector<16xf32> to vector<1x16xf32>
        tpu.vector_store %arg14[%swap3A_256, %swap3A_257], %swap3A_260 {strides = array<i32>} : memref<256x128xf32, #tpu.memory_space<vmem>>, vector<1x16xf32>,
        %get3A_261 = arith.index_cast %add3A_251 : i32 to index
        %get3A_262 = arith.constant 16 : index
        %get3A_263 = tpu.vector_load %arg12[%get3A_261, %get3A_262] {strides = array<i32>} : memref<256x32xf32, #tpu.memory_space<vmem>>, vector<1x16xf32>,
        %get3A_264 = vector.shape_cast %get3A_263 : vector<1x16xf32> to vector<16xf32>
        %swap3A_265 = arith.index_cast %add3A_251 : i32 to index
        %swap3A_266 = arith.constant 80 : index
        %swap3A_267 = tpu.vector_load %arg14[%swap3A_265, %swap3A_266] {strides = array<i32>} : memref<256x128xf32, #tpu.memory_space<vmem>>, vector<1x16xf32>,
        %swap3A_268 = vector.shape_cast %swap3A_267 : vector<1x16xf32> to vector<16xf32>
        %swap3A_269 = vector.shape_cast %get3A_264 : vector<16xf32> to vector<1x16xf32>
        tpu.vector_store %arg14[%swap3A_265, %swap3A_266], %swap3A_269 {strides = array<i32>} : memref<256x128xf32, #tpu.memory_space<vmem>>, vector<1x16xf32>,
        %add3A_270 = arith.constant 4 : i32
        %add3A_271 = arith.addi %mul3A_191, %add3A_270 : i32
        %get3A_272 = arith.index_cast %add3A_271 : i32 to index
        %get3A_273 = arith.constant 0 : index
        %get3A_274 = tpu.vector_load %arg12[%get3A_272, %get3A_273] {strides = array<i32>} : memref<256x32xf32, #tpu.memory_space<vmem>>, vector<1x16xf32>,
        %get3A_275 = vector.shape_cast %get3A_274 : vector<1x16xf32> to vector<16xf32>
        %swap3A_276 = arith.index_cast %add3A_271 : i32 to index
        %swap3A_277 = arith.constant 64 : index
        %swap3A_278 = tpu.vector_load %arg14[%swap3A_276, %swap3A_277] {strides = array<i32>} : memref<256x128xf32, #tpu.memory_space<vmem>>, vector<1x16xf32>,
        %swap3A_279 = vector.shape_cast %swap3A_278 : vector<1x16xf32> to vector<16xf32>
        %swap3A_280 = vector.shape_cast %get3A_275 : vector<16xf32> to vector<1x16xf32>
        tpu.vector_store %arg14[%swap3A_276, %swap3A_277], %swap3A_280 {strides = array<i32>} : memref<256x128xf32, #tpu.memory_space<vmem>>, vector<1x16xf32>,
        %get3A_281 = arith.index_cast %add3A_271 : i32 to index
        %get3A_282 = arith.constant 16 : index
        %get3A_283 = tpu.vector_load %arg12[%get3A_281, %get3A_282] {strides = array<i32>} : memref<256x32xf32, #tpu.memory_space<vmem>>, vector<1x16xf32>,
        %get3A_284 = vector.shape_cast %get3A_283 : vector<1x16xf32> to vector<16xf32>
        %swap3A_285 = arith.index_cast %add3A_271 : i32 to index
        %swap3A_286 = arith.constant 80 : index
        %swap3A_287 = tpu.vector_load %arg14[%swap3A_285, %swap3A_286] {strides = array<i32>} : memref<256x128xf32, #tpu.memory_space<vmem>>, vector<1x16xf32>,
        %swap3A_288 = vector.shape_cast %swap3A_287 : vector<1x16xf32> to vector<16xf32>
        %swap3A_289 = vector.shape_cast %get3A_284 : vector<16xf32> to vector<1x16xf32>
        tpu.vector_store %arg14[%swap3A_285, %swap3A_286], %swap3A_289 {strides = array<i32>} : memref<256x128xf32, #tpu.memory_space<vmem>>, vector<1x16xf32>,
        %add3A_290 = arith.constant 5 : i32
        %add3A_291 = arith.addi %mul3A_191, %add3A_290 : i32
        %get3A_292 = arith.index_cast %add3A_291 : i32 to index
        %get3A_293 = arith.constant 0 : index
        %get3A_294 = tpu.vector_load %arg12[%get3A_292, %get3A_293] {strides = array<i32>} : memref<256x32xf32, #tpu.memory_space<vmem>>, vector<1x16xf32>,
        %get3A_295 = vector.shape_cast %get3A_294 : vector<1x16xf32> to vector<16xf32>
        %swap3A_296 = arith.index_cast %add3A_291 : i32 to index
        %swap3A_297 = arith.constant 64 : index
        %swap3A_298 = tpu.vector_load %arg14[%swap3A_296, %swap3A_297] {strides = array<i32>} : memref<256x128xf32, #tpu.memory_space<vmem>>, vector<1x16xf32>,
        %swap3A_299 = vector.shape_cast %swap3A_298 : vector<1x16xf32> to vector<16xf32>
        %swap3A_300 = vector.shape_cast %get3A_295 : vector<16xf32> to vector<1x16xf32>
        tpu.vector_store %arg14[%swap3A_296, %swap3A_297], %swap3A_300 {strides = array<i32>} : memref<256x128xf32, #tpu.memory_space<vmem>>, vector<1x16xf32>,
        %get3A_301 = arith.index_cast %add3A_291 : i32 to index
        %get3A_302 = arith.constant 16 : index
        %get3A_303 = tpu.vector_load %arg12[%get3A_301, %get3A_302] {strides = array<i32>} : memref<256x32xf32, #tpu.memory_space<vmem>>, vector<1x16xf32>,
        %get3A_304 = vector.shape_cast %get3A_303 : vector<1x16xf32> to vector<16xf32>
        %swap3A_305 = arith.index_cast %add3A_291 : i32 to index
        %swap3A_306 = arith.constant 80 : index
        %swap3A_307 = tpu.vector_load %arg14[%swap3A_305, %swap3A_306] {strides = array<i32>} : memref<256x128xf32, #tpu.memory_space<vmem>>, vector<1x16xf32>,
        %swap3A_308 = vector.shape_cast %swap3A_307 : vector<1x16xf32> to vector<16xf32>
        %swap3A_309 = vector.shape_cast %get3A_304 : vector<16xf32> to vector<1x16xf32>
        tpu.vector_store %arg14[%swap3A_305, %swap3A_306], %swap3A_309 {strides = array<i32>} : memref<256x128xf32, #tpu.memory_space<vmem>>, vector<1x16xf32>,
        %add3A_310 = arith.constant 6 : i32
        %add3A_311 = arith.addi %mul3A_191, %add3A_310 : i32
        %get3A_312 = arith.index_cast %add3A_311 : i32 to index
        %get3A_313 = arith.constant 0 : index
        %get3A_314 = tpu.vector_load %arg12[%get3A_312, %get3A_313] {strides = array<i32>} : memref<256x32xf32, #tpu.memory_space<vmem>>, vector<1x16xf32>,
        %get3A_315 = vector.shape_cast %get3A_314 : vector<1x16xf32> to vector<16xf32>
        %swap3A_316 = arith.index_cast %add3A_311 : i32 to index
        %swap3A_317 = arith.constant 64 : index
        %swap3A_318 = tpu.vector_load %arg14[%swap3A_316, %swap3A_317] {strides = array<i32>} : memref<256x128xf32, #tpu.memory_space<vmem>>, vector<1x16xf32>,
        %swap3A_319 = vector.shape_cast %swap3A_318 : vector<1x16xf32> to vector<16xf32>
        %swap3A_320 = vector.shape_cast %get3A_315 : vector<16xf32> to vector<1x16xf32>
        tpu.vector_store %arg14[%swap3A_316, %swap3A_317], %swap3A_320 {strides = array<i32>} : memref<256x128xf32, #tpu.memory_space<vmem>>, vector<1x16xf32>,
        %get3A_321 = arith.index_cast %add3A_311 : i32 to index
        %get3A_322 = arith.constant 16 : index
        %get3A_323 = tpu.vector_load %arg12[%get3A_321, %get3A_322] {strides = array<i32>} : memref<256x32xf32, #tpu.memory_space<vmem>>, vector<1x16xf32>,
        %get3A_324 = vector.shape_cast %get3A_323 : vector<1x16xf32> to vector<16xf32>
        %swap3A_325 = arith.index_cast %add3A_311 : i32 to index
        %swap3A_326 = arith.constant 80 : index
        %swap3A_327 = tpu.vector_load %arg14[%swap3A_325, %swap3A_326] {strides = array<i32>} : memref<256x128xf32, #tpu.memory_space<vmem>>, vector<1x16xf32>,
        %swap3A_328 = vector.shape_cast %swap3A_327 : vector<1x16xf32> to vector<16xf32>
        %swap3A_329 = vector.shape_cast %get3A_324 : vector<16xf32> to vector<1x16xf32>
        tpu.vector_store %arg14[%swap3A_325, %swap3A_326], %swap3A_329 {strides = array<i32>} : memref<256x128xf32, #tpu.memory_space<vmem>>, vector<1x16xf32>,
        %add3A_330 = arith.constant 7 : i32
        %add3A_331 = arith.addi %mul3A_191, %add3A_330 : i32
        %get3A_332 = arith.index_cast %add3A_331 : i32 to index
        %get3A_333 = arith.constant 0 : index
        %get3A_334 = tpu.vector_load %arg12[%get3A_332, %get3A_333] {strides = array<i32>} : memref<256x32xf32, #tpu.memory_space<vmem>>, vector<1x16xf32>,
        %get3A_335 = vector.shape_cast %get3A_334 : vector<1x16xf32> to vector<16xf32>
        %swap3A_336 = arith.index_cast %add3A_331 : i32 to index
        %swap3A_337 = arith.constant 64 : index
        %swap3A_338 = tpu.vector_load %arg14[%swap3A_336, %swap3A_337] {strides = array<i32>} : memref<256x128xf32, #tpu.memory_space<vmem>>, vector<1x16xf32>,
        %swap3A_339 = vector.shape_cast %swap3A_338 : vector<1x16xf32> to vector<16xf32>
        %swap3A_340 = vector.shape_cast %get3A_335 : vector<16xf32> to vector<1x16xf32>
        tpu.vector_store %arg14[%swap3A_336, %swap3A_337], %swap3A_340 {strides = array<i32>} : memref<256x128xf32, #tpu.memory_space<vmem>>, vector<1x16xf32>,
        %get3A_341 = arith.index_cast %add3A_331 : i32 to index
        %get3A_342 = arith.constant 16 : index
        %get3A_343 = tpu.vector_load %arg12[%get3A_341, %get3A_342] {strides = array<i32>} : memref<256x32xf32, #tpu.memory_space<vmem>>, vector<1x16xf32>,
        %get3A_344 = vector.shape_cast %get3A_343 : vector<1x16xf32> to vector<16xf32>
        %swap3A_345 = arith.index_cast %add3A_331 : i32 to index
        %swap3A_346 = arith.constant 80 : index
        %swap3A_347 = tpu.vector_load %arg14[%swap3A_345, %swap3A_346] {strides = array<i32>} : memref<256x128xf32, #tpu.memory_space<vmem>>, vector<1x16xf32>,
        %swap3A_348 = vector.shape_cast %swap3A_347 : vector<1x16xf32> to vector<16xf32>
        %swap3A_349 = vector.shape_cast %get3A_344 : vector<16xf32> to vector<1x16xf32>
        tpu.vector_store %arg14[%swap3A_345, %swap3A_346], %swap3A_349 {strides = array<i32>} : memref<256x128xf32, #tpu.memory_space<vmem>>, vector<1x16xf32>,
      }
      %scan3A_181 = arith.constant 32 : i32
      %mul3A_182 = arith.constant 256 : i32
      %mul3A_183 = arith.muli %add3A_144, %mul3A_182 : i32
      %add3A_184 = arith.addi %mul3A_2, %mul3A_183 : i32
      %dma_start3A_185 = arith.constant 0 : i32
      %dma_start3A_186 = tpu.memref_slice %arg6[%add3A_184, %dma_start3A_185] : memref<819200x128xf32, #tpu.memory_space<hbm>> -> memref<256x128xf32, #tpu.memory_space<hbm>>
      %dma_start3A_187 = arith.constant 0 : i32
      %dma_start3A_188 = tpu.memref_slice %arg6[%add3A_184, %dma_start3A_187] : memref<819200x128xf32, #tpu.memory_space<hbm>> -> memref<256x128xf32, #tpu.memory_space<hbm>>
      tpu.enqueue_dma source(%arg14 : memref<256x128xf32, #tpu.memory_space<vmem>>) target(%dma_start3A_188 : memref<256x128xf32, #tpu.memory_space<hbm>>) target_semaphore(%arg20 : memref<!tpu.dma_semaphore, #tpu.memory_space<semaphore_mem>>)
    }
    %scan3A_29 = arith.constant 49 : i32
    %add3A_30 = arith.constant 24832 : i32
    %add3A_31 = arith.addi %mul3A_2, %add3A_30 : i32
    %dma_wait3A_32 = arith.constant 0 : i32
    %dma_wait3A_33 = tpu.memref_slice %arg6[%add3A_31, %dma_wait3A_32] : memref<819200x128xf32, #tpu.memory_space<hbm>> -> memref<256x128xf32, #tpu.memory_space<hbm>>
    %dma_wait3A_34 = arith.constant 0 : i32
    %dma_wait3A_35 = tpu.memref_slice %arg6[%add3A_31, %dma_wait3A_34] : memref<819200x128xf32, #tpu.memory_space<hbm>> -> memref<256x128xf32, #tpu.memory_space<hbm>>
    tpu.wait_dma2 semaphore(%arg20 : memref<!tpu.dma_semaphore, #tpu.memory_space<semaphore_mem>>) src(%arg14 : memref<256x128xf32, #tpu.memory_space<vmem>>) dst(%dma_wait3A_35 : memref<256x128xf32, #tpu.memory_space<hbm>>)
    %add3A_36 = arith.constant 25344 : i32
    %add3A_37 = arith.addi %mul3A_2, %add3A_36 : i32
    %dma_wait3A_38 = tpu.memref_slice %arg4[%add3A_37] : memref<819200xi32, #tpu.memory_space<hbm>> -> memref<256xi32, #tpu.memory_space<hbm>>
    %dma_wait3A_39 = tpu.memref_slice %arg4[%add3A_37] : memref<819200xi32, #tpu.memory_space<hbm>> -> memref<256xi32, #tpu.memory_space<hbm>>
    tpu.wait_dma2 semaphore(%arg16 : memref<!tpu.dma_semaphore, #tpu.memory_space<semaphore_mem>>) src(%dma_wait3A_39 : memref<256xi32, #tpu.memory_space<hbm>>) dst(%arg8 : memref<256xi32, #tpu.memory_space<vmem>>)
    %dma_wait3A_40 = tpu.memref_slice %arg5[%add3A_37] : memref<819200xi32, #tpu.memory_space<hbm>> -> memref<256xi32, #tpu.memory_space<hbm>>
    %dma_wait3A_41 = tpu.memref_slice %arg5[%add3A_37] : memref<819200xi32, #tpu.memory_space<hbm>> -> memref<256xi32, #tpu.memory_space<hbm>>
    tpu.wait_dma2 semaphore(%arg16 : memref<!tpu.dma_semaphore, #tpu.memory_space<semaphore_mem>>) src(%dma_wait3A_41 : memref<256xi32, #tpu.memory_space<hbm>>) dst(%arg10 : memref<256xi32, #tpu.memory_space<vmem>>)
    %dma_start3A_42 = arith.constant 0 : i32
    %dma_start3A_43 = arith.constant 0 : i32
    %dma_start3A_44 = tpu.memref_slice %arg2[%dma_start3A_42, %dma_start3A_43] : memref<1000000x128xf32, #tpu.memory_space<hbm>> -> memref<1000000x128xf32, #tpu.memory_space<hbm>>
    tpu.enqueue_indirect_dma source(%dma_start3A_44 : memref<1000000x128xf32, #tpu.memory_space<hbm>>) target(%arg14 : memref<256x128xf32, #tpu.memory_space<vmem>>) offsets(%arg8 : memref<256xi32, #tpu.memory_space<vmem>>) semaphore(%arg18 : memref<!tpu.dma_semaphore, #tpu.memory_space<semaphore_mem>>)
    %dma_start3A_45 = arith.constant 0 : i32
    %dma_start3A_46 = arith.constant 0 : i32
    %dma_start3A_47 = tpu.memref_slice %arg3[%dma_start3A_45, %dma_start3A_46] : memref<32768x32xf32, #tpu.memory_space<hbm>> -> memref<32768x32xf32, #tpu.memory_space<hbm>>
    tpu.enqueue_indirect_dma source(%dma_start3A_47 : memref<32768x32xf32, #tpu.memory_space<hbm>>) target(%arg12 : memref<256x32xf32, #tpu.memory_space<vmem>>) offsets(%arg10 : memref<256xi32, #tpu.memory_space<vmem>>) semaphore(%arg18 : memref<!tpu.dma_semaphore, #tpu.memory_space<semaphore_mem>>)
    %dma_wait3A_48 = arith.constant 0 : i32
    %dma_wait3A_49 = arith.constant 0 : i32
    %dma_wait3A_50 = tpu.memref_slice %arg2[%dma_wait3A_48, %dma_wait3A_49] : memref<1000000x128xf32, #tpu.memory_space<hbm>> -> memref<1000000x128xf32, #tpu.memory_space<hbm>>
    tpu.wait_indirect_dma semaphore(%arg17 : memref<!tpu.dma_semaphore, #tpu.memory_space<semaphore_mem>>) src(%dma_wait3A_50 : memref<1000000x128xf32, #tpu.memory_space<hbm>>) dst(%arg13 : memref<256x128xf32, #tpu.memory_space<vmem>>)
    %dma_wait3A_51 = arith.constant 0 : i32
    %dma_wait3A_52 = arith.constant 0 : i32
    %dma_wait3A_53 = tpu.memref_slice %arg3[%dma_wait3A_51, %dma_wait3A_52] : memref<32768x32xf32, #tpu.memory_space<hbm>> -> memref<32768x32xf32, #tpu.memory_space<hbm>>
    tpu.wait_indirect_dma semaphore(%arg17 : memref<!tpu.dma_semaphore, #tpu.memory_space<semaphore_mem>>) src(%dma_wait3A_53 : memref<32768x32xf32, #tpu.memory_space<hbm>>) dst(%arg11 : memref<256x32xf32, #tpu.memory_space<vmem>>)
    %scan3A_54 = arith.constant 0 : i32
    %scan3A_55 = arith.constant 0 : i32
    %scan3A_56 = arith.constant 32 : i32
    %scan3A_57 = arith.addi %scan3A_55, %scan3A_56 : i32
    %scan3A_58 = arith.constant 1 : i32
    scf.for %scan3A_96 = %scan3A_55 to %scan3A_57 step %scan3A_58  : i32 {
      %mul3A_97 = arith.constant 8 : i32
      %mul3A_98 = arith.muli %scan3A_96, %mul3A_97 : i32
      %add3A_99 = arith.constant 0 : i32
      %add3A_100 = arith.addi %mul3A_98, %add3A_99 : i32
      %get3A = arith.index_cast %add3A_100 : i32 to index
      %get3A_101 = arith.constant 0 : index
      %get3A_102 = tpu.vector_load %arg11[%get3A, %get3A_101] {strides = array<i32>} : memref<256x32xf32, #tpu.memory_space<vmem>>, vector<1x16xf32>,
      %get3A_103 = vector.shape_cast %get3A_102 : vector<1x16xf32> to vector<16xf32>
      %swap3A = arith.index_cast %add3A_100 : i32 to index
      %swap3A_104 = arith.constant 64 : index
      %swap3A_105 = tpu.vector_load %arg13[%swap3A, %swap3A_104] {strides = array<i32>} : memref<256x128xf32, #tpu.memory_space<vmem>>, vector<1x16xf32>,
      %swap3A_106 = vector.shape_cast %swap3A_105 : vector<1x16xf32> to vector<16xf32>
      %swap3A_107 = vector.shape_cast %get3A_103 : vector<16xf32> to vector<1x16xf32>
      tpu.vector_store %arg13[%swap3A, %swap3A_104], %swap3A_107 {strides = array<i32>} : memref<256x128xf32, #tpu.memory_space<vmem>>, vector<1x16xf32>,
      %get3A_108 = arith.index_cast %add3A_100 : i32 to index
      %get3A_109 = arith.constant 16 : index
      %get3A_110 = tpu.vector_load %arg11[%get3A_108, %get3A_109] {strides = array<i32>} : memref<256x32xf32, #tpu.memory_space<vmem>>, vector<1x16xf32>,
      %get3A_111 = vector.shape_cast %get3A_110 : vector<1x16xf32> to vector<16xf32>
      %swap3A_112 = arith.index_cast %add3A_100 : i32 to index
      %swap3A_113 = arith.constant 80 : index
      %swap3A_114 = tpu.vector_load %arg13[%swap3A_112, %swap3A_113] {strides = array<i32>} : memref<256x128xf32, #tpu.memory_space<vmem>>, vector<1x16xf32>,
      %swap3A_115 = vector.shape_cast %swap3A_114 : vector<1x16xf32> to vector<16xf32>
      %swap3A_116 = vector.shape_cast %get3A_111 : vector<16xf32> to vector<1x16xf32>
      tpu.vector_store %arg13[%swap3A_112, %swap3A_113], %swap3A_116 {strides = array<i32>} : memref<256x128xf32, #tpu.memory_space<vmem>>, vector<1x16xf32>,
      %add3A_117 = arith.constant 1 : i32
      %add3A_118 = arith.addi %mul3A_98, %add3A_117 : i32
      %get3A_119 = arith.index_cast %add3A_118 : i32 to index
      %get3A_120 = arith.constant 0 : index
      %get3A_121 = tpu.vector_load %arg11[%get3A_119, %get3A_120] {strides = array<i32>} : memref<256x32xf32, #tpu.memory_space<vmem>>, vector<1x16xf32>,
      %get3A_122 = vector.shape_cast %get3A_121 : vector<1x16xf32> to vector<16xf32>
      %swap3A_123 = arith.index_cast %add3A_118 : i32 to index
      %swap3A_124 = arith.constant 64 : index
      %swap3A_125 = tpu.vector_load %arg13[%swap3A_123, %swap3A_124] {strides = array<i32>} : memref<256x128xf32, #tpu.memory_space<vmem>>, vector<1x16xf32>,
      %swap3A_126 = vector.shape_cast %swap3A_125 : vector<1x16xf32> to vector<16xf32>
      %swap3A_127 = vector.shape_cast %get3A_122 : vector<16xf32> to vector<1x16xf32>
      tpu.vector_store %arg13[%swap3A_123, %swap3A_124], %swap3A_127 {strides = array<i32>} : memref<256x128xf32, #tpu.memory_space<vmem>>, vector<1x16xf32>,
      %get3A_128 = arith.index_cast %add3A_118 : i32 to index
      %get3A_129 = arith.constant 16 : index
      %get3A_130 = tpu.vector_load %arg11[%get3A_128, %get3A_129] {strides = array<i32>} : memref<256x32xf32, #tpu.memory_space<vmem>>, vector<1x16xf32>,
      %get3A_131 = vector.shape_cast %get3A_130 : vector<1x16xf32> to vector<16xf32>
      %swap3A_132 = arith.index_cast %add3A_118 : i32 to index
      %swap3A_133 = arith.constant 80 : index
      %swap3A_134 = tpu.vector_load %arg13[%swap3A_132, %swap3A_133] {strides = array<i32>} : memref<256x128xf32, #tpu.memory_space<vmem>>, vector<1x16xf32>,
      %swap3A_135 = vector.shape_cast %swap3A_134 : vector<1x16xf32> to vector<16xf32>
      %swap3A_136 = vector.shape_cast %get3A_131 : vector<16xf32> to vector<1x16xf32>
      tpu.vector_store %arg13[%swap3A_132, %swap3A_133], %swap3A_136 {strides = array<i32>} : memref<256x128xf32, #tpu.memory_space<vmem>>, vector<1x16xf32>,
      %add3A_137 = arith.constant 2 : i32
      %add3A_138 = arith.addi %mul3A_98, %add3A_137 : i32
      %get3A_139 = arith.index_cast %add3A_138 : i32 to index
      %get3A_140 = arith.constant 0 : index
      %get3A_141 = tpu.vector_load %arg11[%get3A_139, %get3A_140] {strides = array<i32>} : memref<256x32xf32, #tpu.memory_space<vmem>>, vector<1x16xf32>,
      %get3A_142 = vector.shape_cast %get3A_141 : vector<1x16xf32> to vector<16xf32>
      %swap3A_143 = arith.index_cast %add3A_138 : i32 to index
      %swap3A_144 = arith.constant 64 : index
      %swap3A_145 = tpu.vector_load %arg13[%swap3A_143, %swap3A_144] {strides = array<i32>} : memref<256x128xf32, #tpu.memory_space<vmem>>, vector<1x16xf32>,
      %swap3A_146 = vector.shape_cast %swap3A_145 : vector<1x16xf32> to vector<16xf32>
      %swap3A_147 = vector.shape_cast %get3A_142 : vector<16xf32> to vector<1x16xf32>
      tpu.vector_store %arg13[%swap3A_143, %swap3A_144], %swap3A_147 {strides = array<i32>} : memref<256x128xf32, #tpu.memory_space<vmem>>, vector<1x16xf32>,
      %get3A_148 = arith.index_cast %add3A_138 : i32 to index
      %get3A_149 = arith.constant 16 : index
      %get3A_150 = tpu.vector_load %arg11[%get3A_148, %get3A_149] {strides = array<i32>} : memref<256x32xf32, #tpu.memory_space<vmem>>, vector<1x16xf32>,
      %get3A_151 = vector.shape_cast %get3A_150 : vector<1x16xf32> to vector<16xf32>
      %swap3A_152 = arith.index_cast %add3A_138 : i32 to index
      %swap3A_153 = arith.constant 80 : index
      %swap3A_154 = tpu.vector_load %arg13[%swap3A_152, %swap3A_153] {strides = array<i32>} : memref<256x128xf32, #tpu.memory_space<vmem>>, vector<1x16xf32>,
      %swap3A_155 = vector.shape_cast %swap3A_154 : vector<1x16xf32> to vector<16xf32>
      %swap3A_156 = vector.shape_cast %get3A_151 : vector<16xf32> to vector<1x16xf32>
      tpu.vector_store %arg13[%swap3A_152, %swap3A_153], %swap3A_156 {strides = array<i32>} : memref<256x128xf32, #tpu.memory_space<vmem>>, vector<1x16xf32>,
      %add3A_157 = arith.constant 3 : i32
      %add3A_158 = arith.addi %mul3A_98, %add3A_157 : i32
      %get3A_159 = arith.index_cast %add3A_158 : i32 to index
      %get3A_160 = arith.constant 0 : index
      %get3A_161 = tpu.vector_load %arg11[%get3A_159, %get3A_160] {strides = array<i32>} : memref<256x32xf32, #tpu.memory_space<vmem>>, vector<1x16xf32>,
      %get3A_162 = vector.shape_cast %get3A_161 : vector<1x16xf32> to vector<16xf32>
      %swap3A_163 = arith.index_cast %add3A_158 : i32 to index
      %swap3A_164 = arith.constant 64 : index
      %swap3A_165 = tpu.vector_load %arg13[%swap3A_163, %swap3A_164] {strides = array<i32>} : memref<256x128xf32, #tpu.memory_space<vmem>>, vector<1x16xf32>,
      %swap3A_166 = vector.shape_cast %swap3A_165 : vector<1x16xf32> to vector<16xf32>
      %swap3A_167 = vector.shape_cast %get3A_162 : vector<16xf32> to vector<1x16xf32>
      tpu.vector_store %arg13[%swap3A_163, %swap3A_164], %swap3A_167 {strides = array<i32>} : memref<256x128xf32, #tpu.memory_space<vmem>>, vector<1x16xf32>,
      %get3A_168 = arith.index_cast %add3A_158 : i32 to index
      %get3A_169 = arith.constant 16 : index
      %get3A_170 = tpu.vector_load %arg11[%get3A_168, %get3A_169] {strides = array<i32>} : memref<256x32xf32, #tpu.memory_space<vmem>>, vector<1x16xf32>,
      %get3A_171 = vector.shape_cast %get3A_170 : vector<1x16xf32> to vector<16xf32>
      %swap3A_172 = arith.index_cast %add3A_158 : i32 to index
      %swap3A_173 = arith.constant 80 : index
      %swap3A_174 = tpu.vector_load %arg13[%swap3A_172, %swap3A_173] {strides = array<i32>} : memref<256x128xf32, #tpu.memory_space<vmem>>, vector<1x16xf32>,
      %swap3A_175 = vector.shape_cast %swap3A_174 : vector<1x16xf32> to vector<16xf32>
      %swap3A_176 = vector.shape_cast %get3A_171 : vector<16xf32> to vector<1x16xf32>
      tpu.vector_store %arg13[%swap3A_172, %swap3A_173], %swap3A_176 {strides = array<i32>} : memref<256x128xf32, #tpu.memory_space<vmem>>, vector<1x16xf32>,
      %add3A_177 = arith.constant 4 : i32
      %add3A_178 = arith.addi %mul3A_98, %add3A_177 : i32
      %get3A_179 = arith.index_cast %add3A_178 : i32 to index
      %get3A_180 = arith.constant 0 : index
      %get3A_181 = tpu.vector_load %arg11[%get3A_179, %get3A_180] {strides = array<i32>} : memref<256x32xf32, #tpu.memory_space<vmem>>, vector<1x16xf32>,
      %get3A_182 = vector.shape_cast %get3A_181 : vector<1x16xf32> to vector<16xf32>
      %swap3A_183 = arith.index_cast %add3A_178 : i32 to index
      %swap3A_184 = arith.constant 64 : index
      %swap3A_185 = tpu.vector_load %arg13[%swap3A_183, %swap3A_184] {strides = array<i32>} : memref<256x128xf32, #tpu.memory_space<vmem>>, vector<1x16xf32>,
      %swap3A_186 = vector.shape_cast %swap3A_185 : vector<1x16xf32> to vector<16xf32>
      %swap3A_187 = vector.shape_cast %get3A_182 : vector<16xf32> to vector<1x16xf32>
      tpu.vector_store %arg13[%swap3A_183, %swap3A_184], %swap3A_187 {strides = array<i32>} : memref<256x128xf32, #tpu.memory_space<vmem>>, vector<1x16xf32>,
      %get3A_188 = arith.index_cast %add3A_178 : i32 to index
      %get3A_189 = arith.constant 16 : index
      %get3A_190 = tpu.vector_load %arg11[%get3A_188, %get3A_189] {strides = array<i32>} : memref<256x32xf32, #tpu.memory_space<vmem>>, vector<1x16xf32>,
      %get3A_191 = vector.shape_cast %get3A_190 : vector<1x16xf32> to vector<16xf32>
      %swap3A_192 = arith.index_cast %add3A_178 : i32 to index
      %swap3A_193 = arith.constant 80 : index
      %swap3A_194 = tpu.vector_load %arg13[%swap3A_192, %swap3A_193] {strides = array<i32>} : memref<256x128xf32, #tpu.memory_space<vmem>>, vector<1x16xf32>,
      %swap3A_195 = vector.shape_cast %swap3A_194 : vector<1x16xf32> to vector<16xf32>
      %swap3A_196 = vector.shape_cast %get3A_191 : vector<16xf32> to vector<1x16xf32>
      tpu.vector_store %arg13[%swap3A_192, %swap3A_193], %swap3A_196 {strides = array<i32>} : memref<256x128xf32, #tpu.memory_space<vmem>>, vector<1x16xf32>,
      %add3A_197 = arith.constant 5 : i32
      %add3A_198 = arith.addi %mul3A_98, %add3A_197 : i32
      %get3A_199 = arith.index_cast %add3A_198 : i32 to index
      %get3A_200 = arith.constant 0 : index
      %get3A_201 = tpu.vector_load %arg11[%get3A_199, %get3A_200] {strides = array<i32>} : memref<256x32xf32, #tpu.memory_space<vmem>>, vector<1x16xf32>,
      %get3A_202 = vector.shape_cast %get3A_201 : vector<1x16xf32> to vector<16xf32>
      %swap3A_203 = arith.index_cast %add3A_198 : i32 to index
      %swap3A_204 = arith.constant 64 : index
      %swap3A_205 = tpu.vector_load %arg13[%swap3A_203, %swap3A_204] {strides = array<i32>} : memref<256x128xf32, #tpu.memory_space<vmem>>, vector<1x16xf32>,
      %swap3A_206 = vector.shape_cast %swap3A_205 : vector<1x16xf32> to vector<16xf32>
      %swap3A_207 = vector.shape_cast %get3A_202 : vector<16xf32> to vector<1x16xf32>
      tpu.vector_store %arg13[%swap3A_203, %swap3A_204], %swap3A_207 {strides = array<i32>} : memref<256x128xf32, #tpu.memory_space<vmem>>, vector<1x16xf32>,
      %get3A_208 = arith.index_cast %add3A_198 : i32 to index
      %get3A_209 = arith.constant 16 : index
      %get3A_210 = tpu.vector_load %arg11[%get3A_208, %get3A_209] {strides = array<i32>} : memref<256x32xf32, #tpu.memory_space<vmem>>, vector<1x16xf32>,
      %get3A_211 = vector.shape_cast %get3A_210 : vector<1x16xf32> to vector<16xf32>
      %swap3A_212 = arith.index_cast %add3A_198 : i32 to index
      %swap3A_213 = arith.constant 80 : index
      %swap3A_214 = tpu.vector_load %arg13[%swap3A_212, %swap3A_213] {strides = array<i32>} : memref<256x128xf32, #tpu.memory_space<vmem>>, vector<1x16xf32>,
      %swap3A_215 = vector.shape_cast %swap3A_214 : vector<1x16xf32> to vector<16xf32>
      %swap3A_216 = vector.shape_cast %get3A_211 : vector<16xf32> to vector<1x16xf32>
      tpu.vector_store %arg13[%swap3A_212, %swap3A_213], %swap3A_216 {strides = array<i32>} : memref<256x128xf32, #tpu.memory_space<vmem>>, vector<1x16xf32>,
      %add3A_217 = arith.constant 6 : i32
      %add3A_218 = arith.addi %mul3A_98, %add3A_217 : i32
      %get3A_219 = arith.index_cast %add3A_218 : i32 to index
      %get3A_220 = arith.constant 0 : index
      %get3A_221 = tpu.vector_load %arg11[%get3A_219, %get3A_220] {strides = array<i32>} : memref<256x32xf32, #tpu.memory_space<vmem>>, vector<1x16xf32>,
      %get3A_222 = vector.shape_cast %get3A_221 : vector<1x16xf32> to vector<16xf32>
      %swap3A_223 = arith.index_cast %add3A_218 : i32 to index
      %swap3A_224 = arith.constant 64 : index
      %swap3A_225 = tpu.vector_load %arg13[%swap3A_223, %swap3A_224] {strides = array<i32>} : memref<256x128xf32, #tpu.memory_space<vmem>>, vector<1x16xf32>,
      %swap3A_226 = vector.shape_cast %swap3A_225 : vector<1x16xf32> to vector<16xf32>
      %swap3A_227 = vector.shape_cast %get3A_222 : vector<16xf32> to vector<1x16xf32>
      tpu.vector_store %arg13[%swap3A_223, %swap3A_224], %swap3A_227 {strides = array<i32>} : memref<256x128xf32, #tpu.memory_space<vmem>>, vector<1x16xf32>,
      %get3A_228 = arith.index_cast %add3A_218 : i32 to index
      %get3A_229 = arith.constant 16 : index
      %get3A_230 = tpu.vector_load %arg11[%get3A_228, %get3A_229] {strides = array<i32>} : memref<256x32xf32, #tpu.memory_space<vmem>>, vector<1x16xf32>,
      %get3A_231 = vector.shape_cast %get3A_230 : vector<1x16xf32> to vector<16xf32>
      %swap3A_232 = arith.index_cast %add3A_218 : i32 to index
      %swap3A_233 = arith.constant 80 : index
      %swap3A_234 = tpu.vector_load %arg13[%swap3A_232, %swap3A_233] {strides = array<i32>} : memref<256x128xf32, #tpu.memory_space<vmem>>, vector<1x16xf32>,
      %swap3A_235 = vector.shape_cast %swap3A_234 : vector<1x16xf32> to vector<16xf32>
      %swap3A_236 = vector.shape_cast %get3A_231 : vector<16xf32> to vector<1x16xf32>
      tpu.vector_store %arg13[%swap3A_232, %swap3A_233], %swap3A_236 {strides = array<i32>} : memref<256x128xf32, #tpu.memory_space<vmem>>, vector<1x16xf32>,
      %add3A_237 = arith.constant 7 : i32
      %add3A_238 = arith.addi %mul3A_98, %add3A_237 : i32
      %get3A_239 = arith.index_cast %add3A_238 : i32 to index
      %get3A_240 = arith.constant 0 : index
      %get3A_241 = tpu.vector_load %arg11[%get3A_239, %get3A_240] {strides = array<i32>} : memref<256x32xf32, #tpu.memory_space<vmem>>, vector<1x16xf32>,
      %get3A_242 = vector.shape_cast %get3A_241 : vector<1x16xf32> to vector<16xf32>
      %swap3A_243 = arith.index_cast %add3A_238 : i32 to index
      %swap3A_244 = arith.constant 64 : index
      %swap3A_245 = tpu.vector_load %arg13[%swap3A_243, %swap3A_244] {strides = array<i32>} : memref<256x128xf32, #tpu.memory_space<vmem>>, vector<1x16xf32>,
      %swap3A_246 = vector.shape_cast %swap3A_245 : vector<1x16xf32> to vector<16xf32>
      %swap3A_247 = vector.shape_cast %get3A_242 : vector<16xf32> to vector<1x16xf32>
      tpu.vector_store %arg13[%swap3A_243, %swap3A_244], %swap3A_247 {strides = array<i32>} : memref<256x128xf32, #tpu.memory_space<vmem>>, vector<1x16xf32>,
      %get3A_248 = arith.index_cast %add3A_238 : i32 to index
      %get3A_249 = arith.constant 16 : index
      %get3A_250 = tpu.vector_load %arg11[%get3A_248, %get3A_249] {strides = array<i32>} : memref<256x32xf32, #tpu.memory_space<vmem>>, vector<1x16xf32>,
      %get3A_251 = vector.shape_cast %get3A_250 : vector<1x16xf32> to vector<16xf32>
      %swap3A_252 = arith.index_cast %add3A_238 : i32 to index
      %swap3A_253 = arith.constant 80 : index
      %swap3A_254 = tpu.vector_load %arg13[%swap3A_252, %swap3A_253] {strides = array<i32>} : memref<256x128xf32, #tpu.memory_space<vmem>>, vector<1x16xf32>,
      %swap3A_255 = vector.shape_cast %swap3A_254 : vector<1x16xf32> to vector<16xf32>
      %swap3A_256 = vector.shape_cast %get3A_251 : vector<16xf32> to vector<1x16xf32>
      tpu.vector_store %arg13[%swap3A_252, %swap3A_253], %swap3A_256 {strides = array<i32>} : memref<256x128xf32, #tpu.memory_space<vmem>>, vector<1x16xf32>,
    }
    %scan3A_59 = arith.constant 32 : i32
    %add3A_60 = arith.constant 25088 : i32
    %add3A_61 = arith.addi %mul3A_2, %add3A_60 : i32
    %dma_start3A_62 = arith.constant 0 : i32
    %dma_start3A_63 = tpu.memref_slice %arg6[%add3A_61, %dma_start3A_62] : memref<819200x128xf32, #tpu.memory_space<hbm>> -> memref<256x128xf32, #tpu.memory_space<hbm>>
    %dma_start3A_64 = arith.constant 0 : i32
    %dma_start3A_65 = tpu.memref_slice %arg6[%add3A_61, %dma_start3A_64] : memref<819200x128xf32, #tpu.memory_space<hbm>> -> memref<256x128xf32, #tpu.memory_space<hbm>>
    tpu.enqueue_dma source(%arg13 : memref<256x128xf32, #tpu.memory_space<vmem>>) target(%dma_start3A_65 : memref<256x128xf32, #tpu.memory_space<hbm>>) target_semaphore(%arg19 : memref<!tpu.dma_semaphore, #tpu.memory_space<semaphore_mem>>)
    %dma_wait3A_66 = arith.constant 0 : i32
    %dma_wait3A_67 = arith.constant 0 : i32
    %dma_wait3A_68 = tpu.memref_slice %arg2[%dma_wait3A_66, %dma_wait3A_67] : memref<1000000x128xf32, #tpu.memory_space<hbm>> -> memref<1000000x128xf32, #tpu.memory_space<hbm>>
    tpu.wait_indirect_dma semaphore(%arg18 : memref<!tpu.dma_semaphore, #tpu.memory_space<semaphore_mem>>) src(%dma_wait3A_68 : memref<1000000x128xf32, #tpu.memory_space<hbm>>) dst(%arg14 : memref<256x128xf32, #tpu.memory_space<vmem>>)
    %dma_wait3A_69 = arith.constant 0 : i32
    %dma_wait3A_70 = arith.constant 0 : i32
    %dma_wait3A_71 = tpu.memref_slice %arg3[%dma_wait3A_69, %dma_wait3A_70] : memref<32768x32xf32, #tpu.memory_space<hbm>> -> memref<32768x32xf32, #tpu.memory_space<hbm>>
    tpu.wait_indirect_dma semaphore(%arg18 : memref<!tpu.dma_semaphore, #tpu.memory_space<semaphore_mem>>) src(%dma_wait3A_71 : memref<32768x32xf32, #tpu.memory_space<hbm>>) dst(%arg12 : memref<256x32xf32, #tpu.memory_space<vmem>>)
    %scan3A_72 = arith.constant 0 : i32
    %scan3A_73 = arith.constant 0 : i32
    %scan3A_74 = arith.constant 32 : i32
    %scan3A_75 = arith.addi %scan3A_73, %scan3A_74 : i32
    %scan3A_76 = arith.constant 1 : i32
    scf.for %scan3A_96 = %scan3A_73 to %scan3A_75 step %scan3A_76  : i32 {
      %mul3A_97 = arith.constant 8 : i32
      %mul3A_98 = arith.muli %scan3A_96, %mul3A_97 : i32
      %add3A_99 = arith.constant 0 : i32
      %add3A_100 = arith.addi %mul3A_98, %add3A_99 : i32
      %get3A = arith.index_cast %add3A_100 : i32 to index
      %get3A_101 = arith.constant 0 : index
      %get3A_102 = tpu.vector_load %arg12[%get3A, %get3A_101] {strides = array<i32>} : memref<256x32xf32, #tpu.memory_space<vmem>>, vector<1x16xf32>,
      %get3A_103 = vector.shape_cast %get3A_102 : vector<1x16xf32> to vector<16xf32>
      %swap3A = arith.index_cast %add3A_100 : i32 to index
      %swap3A_104 = arith.constant 64 : index
      %swap3A_105 = tpu.vector_load %arg14[%swap3A, %swap3A_104] {strides = array<i32>} : memref<256x128xf32, #tpu.memory_space<vmem>>, vector<1x16xf32>,
      %swap3A_106 = vector.shape_cast %swap3A_105 : vector<1x16xf32> to vector<16xf32>
      %swap3A_107 = vector.shape_cast %get3A_103 : vector<16xf32> to vector<1x16xf32>
      tpu.vector_store %arg14[%swap3A, %swap3A_104], %swap3A_107 {strides = array<i32>} : memref<256x128xf32, #tpu.memory_space<vmem>>, vector<1x16xf32>,
      %get3A_108 = arith.index_cast %add3A_100 : i32 to index
      %get3A_109 = arith.constant 16 : index
      %get3A_110 = tpu.vector_load %arg12[%get3A_108, %get3A_109] {strides = array<i32>} : memref<256x32xf32, #tpu.memory_space<vmem>>, vector<1x16xf32>,
      %get3A_111 = vector.shape_cast %get3A_110 : vector<1x16xf32> to vector<16xf32>
      %swap3A_112 = arith.index_cast %add3A_100 : i32 to index
      %swap3A_113 = arith.constant 80 : index
      %swap3A_114 = tpu.vector_load %arg14[%swap3A_112, %swap3A_113] {strides = array<i32>} : memref<256x128xf32, #tpu.memory_space<vmem>>, vector<1x16xf32>,
      %swap3A_115 = vector.shape_cast %swap3A_114 : vector<1x16xf32> to vector<16xf32>
      %swap3A_116 = vector.shape_cast %get3A_111 : vector<16xf32> to vector<1x16xf32>
      tpu.vector_store %arg14[%swap3A_112, %swap3A_113], %swap3A_116 {strides = array<i32>} : memref<256x128xf32, #tpu.memory_space<vmem>>, vector<1x16xf32>,
      %add3A_117 = arith.constant 1 : i32
      %add3A_118 = arith.addi %mul3A_98, %add3A_117 : i32
      %get3A_119 = arith.index_cast %add3A_118 : i32 to index
      %get3A_120 = arith.constant 0 : index
      %get3A_121 = tpu.vector_load %arg12[%get3A_119, %get3A_120] {strides = array<i32>} : memref<256x32xf32, #tpu.memory_space<vmem>>, vector<1x16xf32>,
      %get3A_122 = vector.shape_cast %get3A_121 : vector<1x16xf32> to vector<16xf32>
      %swap3A_123 = arith.index_cast %add3A_118 : i32 to index
      %swap3A_124 = arith.constant 64 : index
      %swap3A_125 = tpu.vector_load %arg14[%swap3A_123, %swap3A_124] {strides = array<i32>} : memref<256x128xf32, #tpu.memory_space<vmem>>, vector<1x16xf32>,
      %swap3A_126 = vector.shape_cast %swap3A_125 : vector<1x16xf32> to vector<16xf32>
      %swap3A_127 = vector.shape_cast %get3A_122 : vector<16xf32> to vector<1x16xf32>
      tpu.vector_store %arg14[%swap3A_123, %swap3A_124], %swap3A_127 {strides = array<i32>} : memref<256x128xf32, #tpu.memory_space<vmem>>, vector<1x16xf32>,
      %get3A_128 = arith.index_cast %add3A_118 : i32 to index
      %get3A_129 = arith.constant 16 : index
      %get3A_130 = tpu.vector_load %arg12[%get3A_128, %get3A_129] {strides = array<i32>} : memref<256x32xf32, #tpu.memory_space<vmem>>, vector<1x16xf32>,
      %get3A_131 = vector.shape_cast %get3A_130 : vector<1x16xf32> to vector<16xf32>
      %swap3A_132 = arith.index_cast %add3A_118 : i32 to index
      %swap3A_133 = arith.constant 80 : index
      %swap3A_134 = tpu.vector_load %arg14[%swap3A_132, %swap3A_133] {strides = array<i32>} : memref<256x128xf32, #tpu.memory_space<vmem>>, vector<1x16xf32>,
      %swap3A_135 = vector.shape_cast %swap3A_134 : vector<1x16xf32> to vector<16xf32>
      %swap3A_136 = vector.shape_cast %get3A_131 : vector<16xf32> to vector<1x16xf32>
      tpu.vector_store %arg14[%swap3A_132, %swap3A_133], %swap3A_136 {strides = array<i32>} : memref<256x128xf32, #tpu.memory_space<vmem>>, vector<1x16xf32>,
      %add3A_137 = arith.constant 2 : i32
      %add3A_138 = arith.addi %mul3A_98, %add3A_137 : i32
      %get3A_139 = arith.index_cast %add3A_138 : i32 to index
      %get3A_140 = arith.constant 0 : index
      %get3A_141 = tpu.vector_load %arg12[%get3A_139, %get3A_140] {strides = array<i32>} : memref<256x32xf32, #tpu.memory_space<vmem>>, vector<1x16xf32>,
      %get3A_142 = vector.shape_cast %get3A_141 : vector<1x16xf32> to vector<16xf32>
      %swap3A_143 = arith.index_cast %add3A_138 : i32 to index
      %swap3A_144 = arith.constant 64 : index
      %swap3A_145 = tpu.vector_load %arg14[%swap3A_143, %swap3A_144] {strides = array<i32>} : memref<256x128xf32, #tpu.memory_space<vmem>>, vector<1x16xf32>,
      %swap3A_146 = vector.shape_cast %swap3A_145 : vector<1x16xf32> to vector<16xf32>
      %swap3A_147 = vector.shape_cast %get3A_142 : vector<16xf32> to vector<1x16xf32>
      tpu.vector_store %arg14[%swap3A_143, %swap3A_144], %swap3A_147 {strides = array<i32>} : memref<256x128xf32, #tpu.memory_space<vmem>>, vector<1x16xf32>,
      %get3A_148 = arith.index_cast %add3A_138 : i32 to index
      %get3A_149 = arith.constant 16 : index
      %get3A_150 = tpu.vector_load %arg12[%get3A_148, %get3A_149] {strides = array<i32>} : memref<256x32xf32, #tpu.memory_space<vmem>>, vector<1x16xf32>,
      %get3A_151 = vector.shape_cast %get3A_150 : vector<1x16xf32> to vector<16xf32>
      %swap3A_152 = arith.index_cast %add3A_138 : i32 to index
      %swap3A_153 = arith.constant 80 : index
      %swap3A_154 = tpu.vector_load %arg14[%swap3A_152, %swap3A_153] {strides = array<i32>} : memref<256x128xf32, #tpu.memory_space<vmem>>, vector<1x16xf32>,
      %swap3A_155 = vector.shape_cast %swap3A_154 : vector<1x16xf32> to vector<16xf32>
      %swap3A_156 = vector.shape_cast %get3A_151 : vector<16xf32> to vector<1x16xf32>
      tpu.vector_store %arg14[%swap3A_152, %swap3A_153], %swap3A_156 {strides = array<i32>} : memref<256x128xf32, #tpu.memory_space<vmem>>, vector<1x16xf32>,
      %add3A_157 = arith.constant 3 : i32
      %add3A_158 = arith.addi %mul3A_98, %add3A_157 : i32
      %get3A_159 = arith.index_cast %add3A_158 : i32 to index
      %get3A_160 = arith.constant 0 : index
      %get3A_161 = tpu.vector_load %arg12[%get3A_159, %get3A_160] {strides = array<i32>} : memref<256x32xf32, #tpu.memory_space<vmem>>, vector<1x16xf32>,
      %get3A_162 = vector.shape_cast %get3A_161 : vector<1x16xf32> to vector<16xf32>
      %swap3A_163 = arith.index_cast %add3A_158 : i32 to index
      %swap3A_164 = arith.constant 64 : index
      %swap3A_165 = tpu.vector_load %arg14[%swap3A_163, %swap3A_164] {strides = array<i32>} : memref<256x128xf32, #tpu.memory_space<vmem>>, vector<1x16xf32>,
      %swap3A_166 = vector.shape_cast %swap3A_165 : vector<1x16xf32> to vector<16xf32>
      %swap3A_167 = vector.shape_cast %get3A_162 : vector<16xf32> to vector<1x16xf32>
      tpu.vector_store %arg14[%swap3A_163, %swap3A_164], %swap3A_167 {strides = array<i32>} : memref<256x128xf32, #tpu.memory_space<vmem>>, vector<1x16xf32>,
      %get3A_168 = arith.index_cast %add3A_158 : i32 to index
      %get3A_169 = arith.constant 16 : index
      %get3A_170 = tpu.vector_load %arg12[%get3A_168, %get3A_169] {strides = array<i32>} : memref<256x32xf32, #tpu.memory_space<vmem>>, vector<1x16xf32>,
      %get3A_171 = vector.shape_cast %get3A_170 : vector<1x16xf32> to vector<16xf32>
      %swap3A_172 = arith.index_cast %add3A_158 : i32 to index
      %swap3A_173 = arith.constant 80 : index
      %swap3A_174 = tpu.vector_load %arg14[%swap3A_172, %swap3A_173] {strides = array<i32>} : memref<256x128xf32, #tpu.memory_space<vmem>>, vector<1x16xf32>,
      %swap3A_175 = vector.shape_cast %swap3A_174 : vector<1x16xf32> to vector<16xf32>
      %swap3A_176 = vector.shape_cast %get3A_171 : vector<16xf32> to vector<1x16xf32>
      tpu.vector_store %arg14[%swap3A_172, %swap3A_173], %swap3A_176 {strides = array<i32>} : memref<256x128xf32, #tpu.memory_space<vmem>>, vector<1x16xf32>,
      %add3A_177 = arith.constant 4 : i32
      %add3A_178 = arith.addi %mul3A_98, %add3A_177 : i32
      %get3A_179 = arith.index_cast %add3A_178 : i32 to index
      %get3A_180 = arith.constant 0 : index
      %get3A_181 = tpu.vector_load %arg12[%get3A_179, %get3A_180] {strides = array<i32>} : memref<256x32xf32, #tpu.memory_space<vmem>>, vector<1x16xf32>,
      %get3A_182 = vector.shape_cast %get3A_181 : vector<1x16xf32> to vector<16xf32>
      %swap3A_183 = arith.index_cast %add3A_178 : i32 to index
      %swap3A_184 = arith.constant 64 : index
      %swap3A_185 = tpu.vector_load %arg14[%swap3A_183, %swap3A_184] {strides = array<i32>} : memref<256x128xf32, #tpu.memory_space<vmem>>, vector<1x16xf32>,
      %swap3A_186 = vector.shape_cast %swap3A_185 : vector<1x16xf32> to vector<16xf32>
      %swap3A_187 = vector.shape_cast %get3A_182 : vector<16xf32> to vector<1x16xf32>
      tpu.vector_store %arg14[%swap3A_183, %swap3A_184], %swap3A_187 {strides = array<i32>} : memref<256x128xf32, #tpu.memory_space<vmem>>, vector<1x16xf32>,
      %get3A_188 = arith.index_cast %add3A_178 : i32 to index
      %get3A_189 = arith.constant 16 : index
      %get3A_190 = tpu.vector_load %arg12[%get3A_188, %get3A_189] {strides = array<i32>} : memref<256x32xf32, #tpu.memory_space<vmem>>, vector<1x16xf32>,
      %get3A_191 = vector.shape_cast %get3A_190 : vector<1x16xf32> to vector<16xf32>
      %swap3A_192 = arith.index_cast %add3A_178 : i32 to index
      %swap3A_193 = arith.constant 80 : index
      %swap3A_194 = tpu.vector_load %arg14[%swap3A_192, %swap3A_193] {strides = array<i32>} : memref<256x128xf32, #tpu.memory_space<vmem>>, vector<1x16xf32>,
      %swap3A_195 = vector.shape_cast %swap3A_194 : vector<1x16xf32> to vector<16xf32>
      %swap3A_196 = vector.shape_cast %get3A_191 : vector<16xf32> to vector<1x16xf32>
      tpu.vector_store %arg14[%swap3A_192, %swap3A_193], %swap3A_196 {strides = array<i32>} : memref<256x128xf32, #tpu.memory_space<vmem>>, vector<1x16xf32>,
      %add3A_197 = arith.constant 5 : i32
      %add3A_198 = arith.addi %mul3A_98, %add3A_197 : i32
      %get3A_199 = arith.index_cast %add3A_198 : i32 to index
      %get3A_200 = arith.constant 0 : index
      %get3A_201 = tpu.vector_load %arg12[%get3A_199, %get3A_200] {strides = array<i32>} : memref<256x32xf32, #tpu.memory_space<vmem>>, vector<1x16xf32>,
      %get3A_202 = vector.shape_cast %get3A_201 : vector<1x16xf32> to vector<16xf32>
      %swap3A_203 = arith.index_cast %add3A_198 : i32 to index
      %swap3A_204 = arith.constant 64 : index
      %swap3A_205 = tpu.vector_load %arg14[%swap3A_203, %swap3A_204] {strides = array<i32>} : memref<256x128xf32, #tpu.memory_space<vmem>>, vector<1x16xf32>,
      %swap3A_206 = vector.shape_cast %swap3A_205 : vector<1x16xf32> to vector<16xf32>
      %swap3A_207 = vector.shape_cast %get3A_202 : vector<16xf32> to vector<1x16xf32>
      tpu.vector_store %arg14[%swap3A_203, %swap3A_204], %swap3A_207 {strides = array<i32>} : memref<256x128xf32, #tpu.memory_space<vmem>>, vector<1x16xf32>,
      %get3A_208 = arith.index_cast %add3A_198 : i32 to index
      %get3A_209 = arith.constant 16 : index
      %get3A_210 = tpu.vector_load %arg12[%get3A_208, %get3A_209] {strides = array<i32>} : memref<256x32xf32, #tpu.memory_space<vmem>>, vector<1x16xf32>,
      %get3A_211 = vector.shape_cast %get3A_210 : vector<1x16xf32> to vector<16xf32>
      %swap3A_212 = arith.index_cast %add3A_198 : i32 to index
      %swap3A_213 = arith.constant 80 : index
      %swap3A_214 = tpu.vector_load %arg14[%swap3A_212, %swap3A_213] {strides = array<i32>} : memref<256x128xf32, #tpu.memory_space<vmem>>, vector<1x16xf32>,
      %swap3A_215 = vector.shape_cast %swap3A_214 : vector<1x16xf32> to vector<16xf32>
      %swap3A_216 = vector.shape_cast %get3A_211 : vector<16xf32> to vector<1x16xf32>
      tpu.vector_store %arg14[%swap3A_212, %swap3A_213], %swap3A_216 {strides = array<i32>} : memref<256x128xf32, #tpu.memory_space<vmem>>, vector<1x16xf32>,
      %add3A_217 = arith.constant 6 : i32
      %add3A_218 = arith.addi %mul3A_98, %add3A_217 : i32
      %get3A_219 = arith.index_cast %add3A_218 : i32 to index
      %get3A_220 = arith.constant 0 : index
      %get3A_221 = tpu.vector_load %arg12[%get3A_219, %get3A_220] {strides = array<i32>} : memref<256x32xf32, #tpu.memory_space<vmem>>, vector<1x16xf32>,
      %get3A_222 = vector.shape_cast %get3A_221 : vector<1x16xf32> to vector<16xf32>
      %swap3A_223 = arith.index_cast %add3A_218 : i32 to index
      %swap3A_224 = arith.constant 64 : index
      %swap3A_225 = tpu.vector_load %arg14[%swap3A_223, %swap3A_224] {strides = array<i32>} : memref<256x128xf32, #tpu.memory_space<vmem>>, vector<1x16xf32>,
      %swap3A_226 = vector.shape_cast %swap3A_225 : vector<1x16xf32> to vector<16xf32>
      %swap3A_227 = vector.shape_cast %get3A_222 : vector<16xf32> to vector<1x16xf32>
      tpu.vector_store %arg14[%swap3A_223, %swap3A_224], %swap3A_227 {strides = array<i32>} : memref<256x128xf32, #tpu.memory_space<vmem>>, vector<1x16xf32>,
      %get3A_228 = arith.index_cast %add3A_218 : i32 to index
      %get3A_229 = arith.constant 16 : index
      %get3A_230 = tpu.vector_load %arg12[%get3A_228, %get3A_229] {strides = array<i32>} : memref<256x32xf32, #tpu.memory_space<vmem>>, vector<1x16xf32>,
      %get3A_231 = vector.shape_cast %get3A_230 : vector<1x16xf32> to vector<16xf32>
      %swap3A_232 = arith.index_cast %add3A_218 : i32 to index
      %swap3A_233 = arith.constant 80 : index
      %swap3A_234 = tpu.vector_load %arg14[%swap3A_232, %swap3A_233] {strides = array<i32>} : memref<256x128xf32, #tpu.memory_space<vmem>>, vector<1x16xf32>,
      %swap3A_235 = vector.shape_cast %swap3A_234 : vector<1x16xf32> to vector<16xf32>
      %swap3A_236 = vector.shape_cast %get3A_231 : vector<16xf32> to vector<1x16xf32>
      tpu.vector_store %arg14[%swap3A_232, %swap3A_233], %swap3A_236 {strides = array<i32>} : memref<256x128xf32, #tpu.memory_space<vmem>>, vector<1x16xf32>,
      %add3A_237 = arith.constant 7 : i32
      %add3A_238 = arith.addi %mul3A_98, %add3A_237 : i32
      %get3A_239 = arith.index_cast %add3A_238 : i32 to index
      %get3A_240 = arith.constant 0 : index
      %get3A_241 = tpu.vector_load %arg12[%get3A_239, %get3A_240] {strides = array<i32>} : memref<256x32xf32, #tpu.memory_space<vmem>>, vector<1x16xf32>,
      %get3A_242 = vector.shape_cast %get3A_241 : vector<1x16xf32> to vector<16xf32>
      %swap3A_243 = arith.index_cast %add3A_238 : i32 to index
      %swap3A_244 = arith.constant 64 : index
      %swap3A_245 = tpu.vector_load %arg14[%swap3A_243, %swap3A_244] {strides = array<i32>} : memref<256x128xf32, #tpu.memory_space<vmem>>, vector<1x16xf32>,
      %swap3A_246 = vector.shape_cast %swap3A_245 : vector<1x16xf32> to vector<16xf32>
      %swap3A_247 = vector.shape_cast %get3A_242 : vector<16xf32> to vector<1x16xf32>
      tpu.vector_store %arg14[%swap3A_243, %swap3A_244], %swap3A_247 {strides = array<i32>} : memref<256x128xf32, #tpu.memory_space<vmem>>, vector<1x16xf32>,
      %get3A_248 = arith.index_cast %add3A_238 : i32 to index
      %get3A_249 = arith.constant 16 : index
      %get3A_250 = tpu.vector_load %arg12[%get3A_248, %get3A_249] {strides = array<i32>} : memref<256x32xf32, #tpu.memory_space<vmem>>, vector<1x16xf32>,
      %get3A_251 = vector.shape_cast %get3A_250 : vector<1x16xf32> to vector<16xf32>
      %swap3A_252 = arith.index_cast %add3A_238 : i32 to index
      %swap3A_253 = arith.constant 80 : index
      %swap3A_254 = tpu.vector_load %arg14[%swap3A_252, %swap3A_253] {strides = array<i32>} : memref<256x128xf32, #tpu.memory_space<vmem>>, vector<1x16xf32>,
      %swap3A_255 = vector.shape_cast %swap3A_254 : vector<1x16xf32> to vector<16xf32>
      %swap3A_256 = vector.shape_cast %get3A_251 : vector<16xf32> to vector<1x16xf32>
      tpu.vector_store %arg14[%swap3A_252, %swap3A_253], %swap3A_256 {strides = array<i32>} : memref<256x128xf32, #tpu.memory_space<vmem>>, vector<1x16xf32>,
    }
    %scan3A_77 = arith.constant 32 : i32
    %add3A_78 = arith.constant 25344 : i32
    %add3A_79 = arith.addi %mul3A_2, %add3A_78 : i32
    %dma_start3A_80 = arith.constant 0 : i32
    %dma_start3A_81 = tpu.memref_slice %arg6[%add3A_79, %dma_start3A_80] : memref<819200x128xf32, #tpu.memory_space<hbm>> -> memref<256x128xf32, #tpu.memory_space<hbm>>
    %dma_start3A_82 = arith.constant 0 : i32
    %dma_start3A_83 = tpu.memref_slice %arg6[%add3A_79, %dma_start3A_82] : memref<819200x128xf32, #tpu.memory_space<hbm>> -> memref<256x128xf32, #tpu.memory_space<hbm>>
    tpu.enqueue_dma source(%arg14 : memref<256x128xf32, #tpu.memory_space<vmem>>) target(%dma_start3A_83 : memref<256x128xf32, #tpu.memory_space<hbm>>) target_semaphore(%arg20 : memref<!tpu.dma_semaphore, #tpu.memory_space<semaphore_mem>>)
    %add3A_84 = arith.constant 25344 : i32
    %add3A_85 = arith.addi %mul3A_2, %add3A_84 : i32
    %dma_wait3A_86 = arith.constant 0 : i32
    %dma_wait3A_87 = tpu.memref_slice %arg6[%add3A_85, %dma_wait3A_86] : memref<819200x128xf32, #tpu.memory_space<hbm>> -> memref<256x128xf32, #tpu.memory_space<hbm>>
    %dma_wait3A_88 = arith.constant 0 : i32
    %dma_wait3A_89 = tpu.memref_slice %arg6[%add3A_85, %dma_wait3A_88] : memref<819200x128xf32, #tpu.memory_space<hbm>> -> memref<256x128xf32, #tpu.memory_space<hbm>>
    tpu.wait_dma2 semaphore(%arg20 : memref<!tpu.dma_semaphore, #tpu.memory_space<semaphore_mem>>) src(%arg14 : memref<256x128xf32, #tpu.memory_space<vmem>>) dst(%dma_wait3A_89 : memref<256x128xf32, #tpu.memory_space<hbm>>)
    %add3A_90 = arith.constant 25088 : i32
    %add3A_91 = arith.addi %mul3A_2, %add3A_90 : i32
    %dma_wait3A_92 = arith.constant 0 : i32
    %dma_wait3A_93 = tpu.memref_slice %arg6[%add3A_91, %dma_wait3A_92] : memref<819200x128xf32, #tpu.memory_space<hbm>> -> memref<256x128xf32, #tpu.memory_space<hbm>>
    %dma_wait3A_94 = arith.constant 0 : i32
    %dma_wait3A_95 = tpu.memref_slice %arg6[%add3A_91, %dma_wait3A_94] : memref<819200x128xf32, #tpu.memory_space<hbm>> -> memref<256x128xf32, #tpu.memory_space<hbm>>
    tpu.wait_dma2 semaphore(%arg19 : memref<!tpu.dma_semaphore, #tpu.memory_space<semaphore_mem>>) src(%arg13 : memref<256x128xf32, #tpu.memory_space<vmem>>) dst(%dma_wait3A_95 : memref<256x128xf32, #tpu.memory_space<hbm>>)
    return
  }
}

</mosaic_0001>

<sc_bundles>
// kernel: kernel.3.cloned.1.call-start
scs
__scs_entry_jumppad:
0x0: {  	(pc) =	sbr.rel $0x88, $3  }
0x1: {  	(tag) =	ssettag $0x0;
	lr =	simm.s32 $0x1  }
0x2: {  	[smem:$0x3F9B] =	sst lr;
	_ =	strace $0xD0000000  }
0x3: {  	_ = 	snop  }
0x4: {  	_ = 	snop  }
0x5: {  	_ = 	snop  }
0x6: {  	_ = 	snop  }
0x7: {  	_ = 	snop  }
__scs_overlays_trampoline_lowered:
0x8: {  	[smem:$0x3FAA] =	sst s0  }
0x9: {  	[smem:$0x3FAB] =	sst s1  }
0xa: {  	[smem:$0x3FAC] =	sst s2  }
0xb: {  	[smem:$0x3FAD] =	sst s3  }
0xc: {  	[smem:$0x3FAE] =	sst s4  }
0xd: {  	[smem:$0x3FAF] =	sst s5  }
0xe: {  	[smem:$0x3FB0] =	sst s6  }
0xf: {  	[smem:$0x3FB1] =	sst s7  }
0x10: {  	[smem:$0x3FB2] =	sst s8  }
0x11: {  	[smem:$0x3FB3] =	sst s9;
	s0 =	simm.s32 @!p0 $0x0  }
0x12: {  	s1 =	sld [smem:$0x3F99];
	s0 =	simm.s32 @p0 $0x1  }
0x13: {  	[smem:$0x3FB4] =	sst s0;
	s0 =	simm.s32 @!p1 $0x0  }
0x14: {  	s2 =	sld [smem:$0x3F98];
	s0 =	simm.s32 @p1 $0x1  }
0x15: {  	[smem:$0x3FB5] =	sst s0;
	s0 =	simm.s32 @!p2 $0x0  }
0x16: {  	s3 =	sld [smem:$0x3FDB];
	s0 =	simm.s32 @p2 $0x1  }
0x17: {  	s4 =	simm.s32 $0x1BF5;
	[smem:$0x3FB7] =	sst s0  }
0x18: {  	s0 =	sld [smem:$0x3F9A];
	_ =	swait.ge [sflag:s4], $0x0  }
0x19: {  	s7 =	sld [smem:$0x3F9B]  }
0x1a: {  	s8 =	sadd.s32 $0xFFFFE003, lr  }
0x1b: {  	s9 =	sadd.s32 $0xFFFFFEF7, lr;
	s5 =	simm.s32 $0xFFFFFFFF;
	p2 =	slt.u32 s8, $0xFFFFF086  }
0x1c: {  	p1 =	slt.u32 s9, $0xF7A;
	s5 =	simm.s32 @!p2 $0x0  }
0x1d: {  	s5 =	simm.s32 @p1 $0x1;
	p0 =	seq.s32 s7, s2  }
0x1e: {  	s7 =	smul.u32 @!p0 $0xF7A, s2;
	p2 =	seq.s32 @!p0 s5, $0x0  }
0x1f: {  	s9 =	smul.u32 $0xF7A, s1;
	s8 =	simm.s32 @!p0 $0x1BF5;
	p2 =	por !p2, p0  }
0x20: {  	[sflag:s8] =	ssyncset.s32 @!p0 $0xFFFFF086;
	s6 =	sadd.s32 @!p0 s3, s7;
	s7 =	simm.s32 @!p0 $0x108  }
0x21: {  	s3 =	sadd.s32 s3, s9;
	s6 =	sadd.s32 @!p0 $0x88, s6;
	s7 =	simm.s32 @p2 $0x1082  }
0x22: {  	[simem:s7], [sflag:s8] =	dma.local @!p0 [hbm:s6], $0xF7A  }
0x23: {  	s9 =	sor.u32 $0xD0000000, s2;
	s6 =	simm.s32 $0x108;
	_ =	swait.ge @!p0 [sflag:s8], $0x0  }
0x24: {  	s3 =	sadd.s32 $0x88, s3;
	s6 =	simm.s32 @!p1 $0x1082;
	[sflag:s4] =	ssyncset.s32 $0xFFFFF086  }
0x25: {  	[simem:s6], [sflag:s4] =	dma.local [hbm:s3], $0xF7A  }
0x26: {  	[smem:$0x3F9B] =	sst s1;
	(tag) =	ssettag s2;
	_ =	strace s9  }
0x27: {  	s1 =	sld [smem:$0x3FAB]  }
0x28: {  	s2 =	sld [smem:$0x3FAC]  }
0x29: {  	s4 =	sld [smem:$0x3FAE]  }
0x2a: {  	p0 =	seq.s32 s5, $0x0;
	s5 =	sld [smem:$0x3FAF]  }
0x2b: {  	s6 =	sld [smem:$0x3FB0]  }
0x2c: {  	s7 =	sld [smem:$0x3FB1]  }
0x2d: {  	s3 =	simm.s32 $0x108;
	s8 =	sld [smem:$0x3FB2]  }
0x2e: {  	s3 =	simm.s32 @!p0 $0x1082;
	s9 =	sld [smem:$0x3FB3]  }
0x2f: {  	lr =	sadd.s32 s0, s3;
	s0 =	sld [smem:$0x3FAA]  }
0x30: {  	s3 =	sld [smem:$0x3FAD]  }
0x31: {  	[smem:$0x3FB6] =	sst s10  }
0x32: {  	s10 =	sld [smem:$0x3FB4];
	_ =	sdelay $0x3  }
0x33: {  	p0 =	seq.s32 s10, $0x1;
	s10 =	sld [smem:$0x3FB6];
	_ =	sdelay $0x3  }
0x34: {  	[smem:$0x3FB6] =	sst s10  }
0x35: {  	s10 =	sld [smem:$0x3FB5];
	_ =	sdelay $0x3  }
0x36: {  	p1 =	seq.s32 s10, $0x1;
	s10 =	sld [smem:$0x3FB6];
	_ =	sdelay $0x3  }
0x37: {  	[smem:$0x3FB6] =	sst s10  }
0x38: {  	s10 =	sld [smem:$0x3FB7]  }
0x39: {  	_ = 	snop;
	(pc) =	sbr.ind lr, $3  }
0x3a: {  	_ = 	snop  }
0x3b: {  	_ = 	snop  }
0x3c: {  	p2 =	seq.s32 s10, $0x1;
	s10 =	sld [smem:$0x3FB6]  }
0x3d: {  	_ =	shalt  }
0x3e: {  	_ =	shalt  }
0x3f: {  	_ =	shalt  }
0x40: {  	_ =	shalt  }
0x41: {  	_ =	shalt  }
0x42: {  	_ =	shalt  }
0x43: {  	_ =	shalt  }
0x44: {  	_ =	shalt  }
0x45: {  	_ =	shalt  }
0x46: {  	_ =	shalt  }
0x47: {  	_ =	shalt  }
0x48: {  	_ =	shalt  }
0x49: {  	_ =	shalt  }
0x4a: {  	_ =	shalt  }
0x4b: {  	_ =	shalt  }
0x4c: {  	_ =	shalt  }
0x4d: {  	_ =	shalt  }
0x4e: {  	_ =	shalt  }
0x4f: {  	_ =	shalt  }
0x50: {  	_ =	shalt  }
0x51: {  	_ =	shalt  }
0x52: {  	_ =	shalt  }
0x53: {  	_ =	shalt  }
0x54: {  	_ =	shalt  }
0x55: {  	_ =	shalt  }
0x56: {  	_ =	shalt  }
0x57: {  	_ =	shalt  }
0x58: {  	_ =	shalt  }
0x59: {  	_ =	shalt  }
0x5a: {  	_ =	shalt  }
0x5b: {  	_ =	shalt  }
0x5c: {  	_ =	shalt  }
0x5d: {  	_ =	shalt  }
0x5e: {  	_ =	shalt  }
0x5f: {  	_ =	shalt  }
0x60: {  	_ =	shalt  }
0x61: {  	_ =	shalt  }
0x62: {  	_ =	shalt  }
0x63: {  	_ =	shalt  }
0x64: {  	_ =	shalt  }
0x65: {  	_ =	shalt  }
0x66: {  	_ =	shalt  }
0x67: {  	_ =	shalt  }
0x68: {  	_ =	shalt  }
0x69: {  	_ =	shalt  }
0x6a: {  	_ =	shalt  }
0x6b: {  	_ =	shalt  }
0x6c: {  	_ =	shalt  }
0x6d: {  	_ =	shalt  }
0x6e: {  	_ =	shalt  }
0x6f: {  	_ =	shalt  }
0x70: {  	_ =	shalt  }
0x71: {  	_ =	shalt  }
0x72: {  	_ =	shalt  }
0x73: {  	_ =	shalt  }
0x74: {  	_ =	shalt  }
0x75: {  	_ =	shalt  }
0x76: {  	_ =	shalt  }
0x77: {  	_ =	shalt  }
0x78: {  	_ =	shalt  }
0x79: {  	_ =	shalt  }
0x7a: {  	_ =	shalt  }
0x7b: {  	_ =	shalt  }
0x7c: {  	_ =	shalt  }
0x7d: {  	_ =	shalt  }
0x7e: {  	_ =	shalt  }
0x7f: {  	_ =	shalt  }
0x80: {  	_ =	shalt  }
0x81: {  	_ =	shalt  }
0x82: {  	_ =	shalt  }
0x83: {  	_ =	shalt  }
0x84: {  	_ =	shalt  }
0x85: {  	_ =	shalt  }
0x86: {  	_ =	shalt  }
0x87: {  	_ =	shalt  }
.Lfunc_end0:
.L_simem_size_0:
called_computation.1_lowered:
.L_overlay_start_0:
0x88: {  	s2 =	sld [smem:$0x3FD9]  }
0x89: {  	s3 =	sld [smem:$0x3FFE];
	_ =	sdelay $0x1  }
0x8a: {  	s1 =	srdreg.scid  }
0x8b: {  	s0 =	sand.u32 $0x1, s1  }
0x8c: {  	s17 =	sshll.u32 s0, $0xA;
	s2 =	sadd.s32 s3, s2  }
0x8d: {  	s2 =	sadd.s32 s2, s17  }
0x8e: {  	[smem:$0x3FC2] =	sst s2  }
0x8f: {  	_ = 	snop  }
0x90: {  	s2 =	sld [smem:$0x3FD0];
	(tm) =	ssettm $0x1  }
0x91: {  	s18 =	sld [smem:$0x3FFB];
	_ =	sdelay $0x3  }
0x92: {  	_ =	strace s18  }
0x93: {  	s3 =	sld [smem:$0x3FFC];
	_ =	sdelay $0x3  }
0x94: {  	_ =	strace s3  }
0x95: {  	s3 =	sld [smem:$0x3FFD];
	_ =	sdelay $0x3  }
0x96: {  	_ =	strace s3  }
0x97: {  	_ =	strace $0x8FFFFFFF  }
0x98: {  	s19 =	sld [smem:$0x3FDB];
	_ =	sdelay $0x1  }
0x99: {  	s4 =	simm.s32 $_scs_section_size  }
0x9a: {  	s5 =	simm.s32 $_size__tile_overlayer_lowered;
	s6 =	simm.s32 $_tile_overlayer_lowered  }
0x9b: {  	s22 =	simm.s32 $0x1BFF;
	s21 =	sshll.u32 s6, $0x1;
	s3 =	sadd.s32 s4, s19  }
0x9c: {  	s7 =	simm.s32 $0x0;
	s20 =	sshll.u32 s5, $0x1;
	s5 =	sadd.s32 s21, s3  }
0x9d: {  	[timem:s7], [sflag:s22] =	dma.local [hbm:s5], s20  }
0x9e: {  	_ =	swait.ge [sflag:s22], s20  }
0x9f: {  	s4 =	ssub.s32 $0x0, s20;
	[sflag:s22] =	ssyncset.done $0x0  }
0xa0: {  	[sflag:s22] =	ssyncadd.s32 s4;
	_ =	sdelay $0x1  }
0xa1: {  	s23 =	simm.s32 $0x1B8B  }
0xa2: {  	_ =	swait.ge [sflag:s23], $0x1  }
0xa3: {  	[sflag:s23] =	ssyncset.done $0x0  }
0xa4: {  	s25 =	simm.s32 $0x1B8E;
	s24 =	sld [smem:$0x3FFE];
	[sflag:s23] =	ssyncadd.s32 $0xFFFFFFFF  }
0xa5: {  	s26 =	simm.s32 $execute0_lowered;
	[smem:$0x3FD2] =	sst s25  }
0xa6: {  	s5 =	sshll.u32 s26, $0x1;
	_ =	strace $0x80000046;
	[dreg:$0x1] =	wrdreg $0xFFFFFFFF  }
0xa7: {  	s28 =	simm.s32 $_size_execute0_lowered;
	s3 =	sadd.s32 s3, s5;
	[dreg:$0x0] =	wrdreg $0x0  }
0xa8: {  	s5 =	sshll.u32 s28, $0x1;
	[dreg:$0x2] =	wrdreg s3  }
0xa9: {  	[dreg:$0x3] =	wrdreg s5  }
0xaa: {  	[dreg:$0x4] =	wrdreg $0xC0  }
0xab: {  	_ =	task [dreg:s7], $0x5FFFF  }
0xac: {  	[dreg:$0x1] =	wrdreg $0xFFFFFFFF  }
0xad: {  	[dreg:$0x0] =	wrdreg $0x60  }
0xae: {  	[dreg:$0x2] =	wrdreg s24  }
0xaf: {  	[dreg:$0x3] =	wrdreg s2  }
0xb0: {  	[dreg:$0x4] =	wrdreg $0x9  }
0xb1: {  	_ =	task.clear_ibuf [dreg:s7], $0x5FFFF;
	_ =	strace $0x90000046  }
0xb2: {  	s29 =	simm.s32 $0x9;
	_ =	strace $0x80000048  }
0xb3: {  	_ =	swait.ge [sflag:s29], $0x1  }
0xb4: {  	[sflag:s29] =	ssyncadd.s32 $0xFFFFFFFF  }
0xb5: {  	_ =	strace $0x90000048  }
0xb6: {  	_ =	sfence  }
0xb7: {  	s30 =	sld [smem:$0x0];
	_ =	sdelay $0x2  }
0xb8: {  	s31 =	sshll.u32 s1, $0xD;
	s1 =	sshrl.u32 s1, $0x2  }
0xb9: {  	s3 =	sand.u32 $0x4000, s31;
	s1 =	sadd.s32 s1, s30  }
0xba: {  	s0 =	sor.u32 s3, s0;
	s1 =	sshll.u32 s1, $0x11  }
0xbb: {  	s0 =	sor.u32 s1, s0  }
0xbc: {  	s0 =	sadd.s32 $0x8F2B, s0  }
0xbd: {  	[sflag:s0] =	ssyncadd.remote.s32 $0x1  }
0xbe: {  	_ =	sfence.sel $0xFFFF  }
0xbf: {  	[dreg:$0x0] =	wrdreg $0xFFFFFFFF;
	(pc) =	sbr.abs _section_cstart, $3  }
0xc0: {  	[dreg:$0x1] =	wrdreg $0xFFFFFFFF  }
0xc1: {  	_ =	task.clear_ibuf [dreg:s7], $0x2FFFF;
	_ =	strace $0x9FFFFFFF  }
0xc2: {  	(tm) =	ssettm $0x7FFFFFFF  }
0xc3: {  	_ =	shalt  }
tec
execute0_lowered:
.L_overlay_start_1:
0x0: {  	(tag) =	ssettag $0x1  }
0x1: {  	s0 =	rddreg [dreg:$0x0]  }
0x2: {  	s2 =	rddreg [dreg:$0x1]  }
0x3: {  	s3 =	simm.s32 $0x0;
	s1 =	srdreg.scid;
	s4 =	stileid.u32  }
0x4: {  	s19 =	simm.s32 $0x200;
	s20 =	simm.s32 $0x100;
	s28 =	simm.s32 $0x2400  }
0x5: {  	s29 =	simm.s32 $0x3;
	s30 =	simm.s32 $0x5;
	s31 =	simm.s32 $0x4  }
0x6: {  	[smem:$0x7FF] =	sst s3;
	s1 =	sand.u32 $0x1, s1;
	s5 =	sshll.u32 s4, $0x1  }
0x7: {  	s4 =	sadd.s32 $0xF75600, s0;
	s6 =	sadd.s32 $0xF43600, s0;
	s8 =	sor.u32 s1, s5  }
0x8: {  	s7 =	sadd.s32 $0x1200, s0;
	s1 =	ssub.s32 $0x2, s1;
	s9 =	smul.u32 $0x6400, s8  }
0x9: {  	_ =	strace $0x80000047;
	s21 =	sshrl.u32 s1, $0x1;
	s8 =	smul.u32 $0x320000, s8  }
0xa: {  	s5 =	sadd.s32 $0xF5C600, s0;
	s0 =	ssub.s32 s1, s21;
	s21 =	simm.s32 $0x300  }
0xb: {  	s22 =	sshrl.u32 s9, $0x3;
	s25 =	sshrl.u32 s8, $0x3;
	s13 =	sor.u32 $0x200, s9  }
0xc: {  	s14 =	sor.u32 $0x300, s9;
	s15 =	sor.u32 $0x8000, s8;
	s18 =	smax.u32 s0, $0x1  }
0xd: {  	s0 =	simm.s32 $0x6;
	s10 =	sadd.s32 s5, s22;
	s23 =	sadd.s32 s6, s22  }
0xe: {  	s1 =	sor.u32 $0x20, s22;
	s22 =	simm.s32 $0x1;
	[dreg:$0x3] =	wrdreg s10  }
0xf: {  	[dreg:$0x4] =	wrdreg s23;
	s24 =	sadd.s32 s5, s1;
	s1 =	sadd.s32 s6, s1  }
0x10: {  	s23 =	simm.s32 $0x4400;
	[dreg:$0x6] =	wrdreg s1;
	s1 =	sadd.s32 s7, s25  }
0x11: {  	[dreg:$0x5] =	wrdreg s24;
	s24 =	simm.s32 $0x400;
	s26 =	sadd.s32 $0x62000, s1  }
0x12: {  	s25 =	simm.s32 $0x2;
	s1 =	sadd.s32 $0x63000, s1;
	[dreg:$0x7] =	wrdreg s26  }
0x13: {  	[dreg:$0x8] =	wrdreg s1;
	s26 =	simm.s32 $0xC400;
	s1 =	simm.s32 $0x0  }
.LBB2_1:
0x14: {  	s9 =	rddreg [dreg:$0x3]  }
0x15: {  	[tilespmem:s3], [sflag:$0x1] =	stream.linear.gather [hbm4b:s9+s3], $0x100, $0x38;
	[tilespmem:$0x14400] =	vst v63  }
0x16: {  	s12 =	rddreg [dreg:$0x4]  }
0x17: {  	[tilespmem:s19], [sflag:$0x1] =	stream.linear.gather [hbm4b:s12+s3], $0x100, $0x38;
	[tilespmem:$0x14400] =	vst v63  }
0x18: {  	s16 =	rddreg [dreg:$0x5]  }
0x19: {  	[tilespmem:s20], [sflag:$0x2] =	stream.linear.gather [hbm4b:s16+s3], $0x100, $0x38;
	[tilespmem:$0x14400] =	vst v63  }
0x1a: {  	s17 =	rddreg [dreg:$0x6]  }
0x1b: {  	[tilespmem:s21], [sflag:$0x2] =	stream.linear.gather [hbm4b:s17+s3], $0x100, $0x38;
	[tilespmem:$0x14400] =	vst v63  }
0x1c: {  	_ =	swait.ge [sflag:s22], $0x100  }
0x1d: {  	[sflag:s22] =	ssyncset.done $0x0  }
0x1e: {  	[sflag:s22] =	ssyncadd.s32 $0xFFFFFF00  }
0x1f: {  	_ =	swait.ge [sflag:s22], $0x100  }
0x20: {  	[sflag:s22] =	ssyncset.done $0x0  }
0x21: {  	[sflag:s22] =	ssyncadd.s32 $0xFFFFFF00  }
0x22: {  	[tilespmem:s23], [sflag:$0x3] =	stream.indirect.gather [hbm4b:s4+s20], $0x80, s3, s20, $0xb8;
	[tilespmem:$0x14400] =	vst v63  }
0x23: {  	s9 =	simm.s32 $0x0  }
0x24: {  	[tilespmem:s24], [sflag:$0x3] =	stream.indirect.gather [hbm4b:s2+s20], $0x20, s19, s20, $0xb8;
	[tilespmem:$0x14400] =	vst v63  }
.LBB2_2:
0x25: {  	p0 =	seq.s32 s9, $0x0  }
0x26: {  	s10 =	simm.s32 @!p0 $0x6  }
0x27: {  	_ =	swait.ge @!p0 [sflag:s10], $0x8000  }
0x28: {  	[sflag:s10] =	ssyncset.done @!p0 $0x0  }
0x29: {  	[sflag:s10] =	ssyncadd.s32 @!p0 $0xFFFF8000  }
0x2a: {  	_ =	swait.ge [sflag:s25], $0x100  }
0x2b: {  	[sflag:s25] =	ssyncset.done $0x0  }
0x2c: {  	[sflag:s25] =	ssyncadd.s32 $0xFFFFFF00  }
0x2d: {  	_ =	swait.ge [sflag:s25], $0x100  }
0x2e: {  	[sflag:s25] =	ssyncset.done $0x0  }
0x2f: {  	[sflag:s25] =	ssyncadd.s32 $0xFFFFFF00  }
0x30: {  	[tilespmem:s26], [sflag:$0x4] =	stream.indirect.gather [hbm4b:s4+s20], $0x80, s20, s20, $0xb8;
	[tilespmem:$0x14400] =	vst v63  }
0x31: {  	_ = 	snop  }
0x32: {  	[tilespmem:s28], [sflag:$0x4] =	stream.indirect.gather [hbm4b:s2+s20], $0x20, s21, s20, $0xb8;
	[tilespmem:$0x14400] =	vst v63  }
0x33: {  	_ =	swait.ge [sflag:s29], $0x8000  }
0x34: {  	[sflag:s29] =	ssyncset.done $0x0  }
0x35: {  	s11 =	sshll.u32 s9, $0x9;
	[sflag:s29] =	ssyncadd.s32 $0xFFFF8000  }
0x36: {  	s16 =	sadd.s32 s11, s13;
	_ =	swait.ge [sflag:s29], $0x2000  }
0x37: {  	s10 =	sshrl.u32 s16, $0x3;
	[sflag:s29] =	ssyncset.done $0x0  }
0x38: {  	s16 =	simm.s32 $0x0;
	s12 =	sadd.s32 s5, s10;
	[sflag:s29] =	ssyncadd.s32 $0xFFFFE000  }
0x39: {  	[tilespmem:s16], [sflag:$0x1] =	stream.linear.gather [hbm4b:s12+s16], $0x100, $0x38;
	[tilespmem:$0x14400] =	vst v63  }
0x3a: {  	s17 =	simm.s32 $0x0;
	s10 =	sadd.s32 s6, s10  }
0x3b: {  	[tilespmem:s19], [sflag:$0x1] =	stream.linear.gather [hbm4b:s10+s16], $0x100, $0x38;
	[tilespmem:$0x14400] =	vst v63  }
0x3c: {  	v0 =	vld [tilespmem:s17+$0x400];
	_ =	sdelay $0x3  }
0x3d: {  	s12 =	simm.s32 $0x4640  }
0x3e: {  	[tilespmem:s12+$0xFFFFFE00] =	vst v0  }
0x3f: {  	v0 =	vld [tilespmem:s17+$0x410];
	_ =	sdelay $0x4  }
0x40: {  	[tilespmem:s12+$0xFFFFFE10] =	vst v0  }
0x41: {  	v0 =	vld [tilespmem:s17+$0x420];
	_ =	sdelay $0x4  }
0x42: {  	[tilespmem:s12+$0xFFFFFE80] =	vst v0  }
0x43: {  	v0 =	vld [tilespmem:s17+$0x430];
	_ =	sdelay $0x4  }
0x44: {  	[tilespmem:s12+$0xFFFFFE90] =	vst v0  }
0x45: {  	v0 =	vld [tilespmem:s17+$0x440];
	_ =	sdelay $0x4  }
0x46: {  	[tilespmem:s12+$0xFFFFFF00] =	vst v0  }
0x47: {  	v0 =	vld [tilespmem:s17+$0x450];
	_ =	sdelay $0x4  }
0x48: {  	[tilespmem:s12+$0xFFFFFF10] =	vst v0  }
0x49: {  	v0 =	vld [tilespmem:s17+$0x460];
	_ =	sdelay $0x4  }
0x4a: {  	[tilespmem:s12+$0xFFFFFF80] =	vst v0  }
0x4b: {  	v0 =	vld [tilespmem:s17+$0x470];
	_ =	sdelay $0x4  }
0x4c: {  	[tilespmem:s12+$0xFFFFFF90] =	vst v0  }
0x4d: {  	v0 =	vld [tilespmem:s17+$0x480];
	_ =	sdelay $0x4  }
0x4e: {  	[tilespmem:s12+$0x0] =	vst v0  }
0x4f: {  	v0 =	vld [tilespmem:s17+$0x490];
	_ =	sdelay $0x4  }
0x50: {  	[tilespmem:s12+$0x10] =	vst v0  }
0x51: {  	v0 =	vld [tilespmem:s17+$0x4A0];
	_ =	sdelay $0x4  }
0x52: {  	[tilespmem:s12+$0x80] =	vst v0  }
0x53: {  	v0 =	vld [tilespmem:s17+$0x4B0];
	_ =	sdelay $0x4  }
0x54: {  	[tilespmem:s12+$0x90] =	vst v0  }
0x55: {  	v0 =	vld [tilespmem:s17+$0x4C0];
	_ =	sdelay $0x4  }
0x56: {  	[tilespmem:s12+$0x100] =	vst v0  }
0x57: {  	v0 =	vld [tilespmem:s17+$0x4D0];
	_ =	sdelay $0x4  }
0x58: {  	[tilespmem:s12+$0x110] =	vst v0  }
0x59: {  	v0 =	vld [tilespmem:s17+$0x4E0];
	_ =	sdelay $0x4  }
0x5a: {  	[tilespmem:s12+$0x180] =	vst v0  }
0x5b: {  	v0 =	vld [tilespmem:s17+$0x4F0];
	_ =	sdelay $0x4  }
0x5c: {  	s10 =	sshll.u32 s9, $0x10;
	s16 =	simm.s32 $0x100;
	s17 =	simm.s32 $0x800;
	[tilespmem:s12+$0x190] =	vst v0  }
.LBB2_3:
0x5d: {  	p0 =	sne.s32 s17, $0x7C00;
	v0 =	vld [tilespmem:s16+$0x400];
	_ =	sdelay $0x3  }
0x5e: {  	s12 =	sadd.s32 $0x400, s12  }
0x5f: {  	[tilespmem:s12+$0xFFFFFE00] =	vst v0  }
0x60: {  	v0 =	vld [tilespmem:s16+$0x410];
	_ =	sdelay $0x4  }
0x61: {  	[tilespmem:s12+$0xFFFFFE10] =	vst v0  }
0x62: {  	v0 =	vld [tilespmem:s16+$0x420];
	_ =	sdelay $0x4  }
0x63: {  	[tilespmem:s12+$0xFFFFFE80] =	vst v0  }
0x64: {  	v0 =	vld [tilespmem:s16+$0x430];
	_ =	sdelay $0x4  }
0x65: {  	[tilespmem:s12+$0xFFFFFE90] =	vst v0  }
0x66: {  	v0 =	vld [tilespmem:s16+$0x440];
	_ =	sdelay $0x4  }
0x67: {  	[tilespmem:s12+$0xFFFFFF00] =	vst v0  }
0x68: {  	v0 =	vld [tilespmem:s16+$0x450];
	_ =	sdelay $0x4  }
0x69: {  	[tilespmem:s12+$0xFFFFFF10] =	vst v0  }
0x6a: {  	v0 =	vld [tilespmem:s16+$0x460];
	_ =	sdelay $0x4  }
0x6b: {  	[tilespmem:s12+$0xFFFFFF80] =	vst v0  }
0x6c: {  	v0 =	vld [tilespmem:s16+$0x470];
	_ =	sdelay $0x4  }
0x6d: {  	[tilespmem:s12+$0xFFFFFF90] =	vst v0  }
0x6e: {  	v0 =	vld [tilespmem:s16+$0x480];
	_ =	sdelay $0x4  }
0x6f: {  	[tilespmem:s12+$0x0] =	vst v0  }
0x70: {  	v0 =	vld [tilespmem:s16+$0x490];
	_ =	sdelay $0x4  }
0x71: {  	[tilespmem:s12+$0x10] =	vst v0  }
0x72: {  	v0 =	vld [tilespmem:s16+$0x4A0];
	_ =	sdelay $0x4  }
0x73: {  	[tilespmem:s12+$0x80] =	vst v0  }
0x74: {  	v0 =	vld [tilespmem:s16+$0x4B0];
	_ =	sdelay $0x4  }
0x75: {  	[tilespmem:s12+$0x90] =	vst v0  }
0x76: {  	v0 =	vld [tilespmem:s16+$0x4C0];
	_ =	sdelay $0x4  }
0x77: {  	[tilespmem:s12+$0x100] =	vst v0  }
0x78: {  	v0 =	vld [tilespmem:s16+$0x4D0];
	_ =	sdelay $0x4  }
0x79: {  	[tilespmem:s12+$0x110] =	vst v0  }
0x7a: {  	v0 =	vld [tilespmem:s16+$0x4E0];
	_ =	sdelay $0x4  }
0x7b: {  	[tilespmem:s12+$0x180] =	vst v0  }
0x7c: {  	v0 =	vld [tilespmem:s16+$0x4F0]  }
.Ltmp0:
0x7d: {  	(pc) =	sbr.rel @p0 .LBB2_3-.Ltmp0, $2  }
0x7e: {  	_ =	sdelay $0x2  }
0x7f: {  	s16 =	sshra.s32 s17, $0x2;
	s17 =	sadd.s32 $0x400, s17;
	[tilespmem:s12+$0x190] =	vst v0  }
0x80: {  	v0 =	vld [tilespmem:s16+$0x400];
	_ =	sdelay $0x3  }
0x81: {  	s12 =	sadd.s32 $0x400, s12  }
0x82: {  	[tilespmem:s12+$0xFFFFFE00] =	vst v0  }
0x83: {  	v0 =	vld [tilespmem:s16+$0x410];
	_ =	sdelay $0x4  }
0x84: {  	[tilespmem:s12+$0xFFFFFE10] =	vst v0  }
0x85: {  	v0 =	vld [tilespmem:s16+$0x420];
	_ =	sdelay $0x4  }
0x86: {  	[tilespmem:s12+$0xFFFFFE80] =	vst v0  }
0x87: {  	v0 =	vld [tilespmem:s16+$0x430];
	_ =	sdelay $0x4  }
0x88: {  	[tilespmem:s12+$0xFFFFFE90] =	vst v0  }
0x89: {  	v0 =	vld [tilespmem:s16+$0x440];
	_ =	sdelay $0x4  }
0x8a: {  	[tilespmem:s12+$0xFFFFFF00] =	vst v0  }
0x8b: {  	v0 =	vld [tilespmem:s16+$0x450];
	_ =	sdelay $0x4  }
0x8c: {  	[tilespmem:s12+$0xFFFFFF10] =	vst v0  }
0x8d: {  	v0 =	vld [tilespmem:s16+$0x460];
	_ =	sdelay $0x4  }
0x8e: {  	[tilespmem:s12+$0xFFFFFF80] =	vst v0  }
0x8f: {  	v0 =	vld [tilespmem:s16+$0x470];
	_ =	sdelay $0x4  }
0x90: {  	[tilespmem:s12+$0xFFFFFF90] =	vst v0  }
0x91: {  	v0 =	vld [tilespmem:s16+$0x480];
	_ =	sdelay $0x4  }
0x92: {  	[tilespmem:s12+$0x0] =	vst v0  }
0x93: {  	v0 =	vld [tilespmem:s16+$0x490];
	_ =	sdelay $0x4  }
0x94: {  	[tilespmem:s12+$0x10] =	vst v0  }
0x95: {  	v0 =	vld [tilespmem:s16+$0x4A0];
	_ =	sdelay $0x4  }
0x96: {  	[tilespmem:s12+$0x80] =	vst v0  }
0x97: {  	v0 =	vld [tilespmem:s16+$0x4B0];
	_ =	sdelay $0x4  }
0x98: {  	[tilespmem:s12+$0x90] =	vst v0  }
0x99: {  	v0 =	vld [tilespmem:s16+$0x4C0];
	_ =	sdelay $0x4  }
0x9a: {  	[tilespmem:s12+$0x100] =	vst v0  }
0x9b: {  	v0 =	vld [tilespmem:s16+$0x4D0];
	_ =	sdelay $0x4  }
0x9c: {  	[tilespmem:s12+$0x110] =	vst v0  }
0x9d: {  	v0 =	vld [tilespmem:s16+$0x4E0];
	_ =	sdelay $0x4  }
0x9e: {  	[tilespmem:s12+$0x180] =	vst v0  }
0x9f: {  	v0 =	vld [tilespmem:s16+$0x4F0];
	_ =	sdelay $0x2  }
0xa0: {  	s17 =	sadd.s32 s8, s10  }
0xa1: {  	s16 =	sshrl.u32 s17, $0x3  }
0xa2: {  	s17 =	sadd.s32 s7, s16;
	s16 =	simm.s32 $0x0;
	[tilespmem:s12+$0x190] =	vst v0  }
0xa3: {  	[hbm4b:s17+s16] =	stream.linear.scatter [tilespmem:s23], [sflag:$0x5], $0x8000, $0x38;
	[tilespmem:$0x14400] =	vst v63  }
0xa4: {  	_ =	swait.ge [sflag:s30], $0x8000  }
0xa5: {  	[sflag:s30] =	ssyncset.done $0x0  }
0xa6: {  	[sflag:s30] =	ssyncadd.s32 $0xFFFF8000  }
0xa7: {  	_ =	swait.ge [sflag:s22], $0x100  }
0xa8: {  	[sflag:s22] =	ssyncset.done $0x0  }
0xa9: {  	[sflag:s22] =	ssyncadd.s32 $0xFFFFFF00  }
0xaa: {  	_ =	swait.ge [sflag:s22], $0x100  }
0xab: {  	[sflag:s22] =	ssyncset.done $0x0  }
0xac: {  	[sflag:s22] =	ssyncadd.s32 $0xFFFFFF00  }
0xad: {  	[tilespmem:s23], [sflag:$0x3] =	stream.indirect.gather [hbm4b:s4+s20], $0x80, s16, s20, $0xb8;
	[tilespmem:$0x14400] =	vst v63  }
0xae: {  	_ = 	snop  }
0xaf: {  	[tilespmem:s24], [sflag:$0x3] =	stream.indirect.gather [hbm4b:s2+s20], $0x20, s19, s20, $0xb8;
	[tilespmem:$0x14400] =	vst v63  }
0xb0: {  	_ =	swait.ge [sflag:s31], $0x8000  }
0xb1: {  	[sflag:s31] =	ssyncset.done $0x0  }
0xb2: {  	[sflag:s31] =	ssyncadd.s32 $0xFFFF8000  }
0xb3: {  	s11 =	sadd.s32 s11, s14;
	_ =	swait.ge [sflag:s31], $0x2000  }
0xb4: {  	s11 =	sshrl.u32 s11, $0x3;
	[sflag:s31] =	ssyncset.done $0x0  }
0xb5: {  	s17 =	sadd.s32 s5, s11;
	[sflag:s31] =	ssyncadd.s32 $0xFFFFE000  }
0xb6: {  	[tilespmem:s20], [sflag:$0x2] =	stream.linear.gather [hbm4b:s17+s16], $0x100, $0x38;
	[tilespmem:$0x14400] =	vst v63  }
0xb7: {  	s11 =	sadd.s32 s6, s11;
	s17 =	simm.s32 $0x0  }
0xb8: {  	[tilespmem:s21], [sflag:$0x2] =	stream.linear.gather [hbm4b:s11+s16], $0x100, $0x38;
	[tilespmem:$0x14400] =	vst v63  }
0xb9: {  	v63 =	vld [tilespmem:s17+$0x2400];
	_ =	sdelay $0x3  }
0xba: {  	s11 =	simm.s32 $0xC640  }
0xbb: {  	[tilespmem:s11+$0xFFFFFE00] =	vst v63  }
0xbc: {  	v0 =	vld [tilespmem:s17+$0x2410];
	_ =	sdelay $0x4  }
0xbd: {  	[tilespmem:s11+$0xFFFFFE10] =	vst v0  }
0xbe: {  	v0 =	vld [tilespmem:s17+$0x2420];
	_ =	sdelay $0x4  }
0xbf: {  	[tilespmem:s11+$0xFFFFFE80] =	vst v0  }
0xc0: {  	v0 =	vld [tilespmem:s17+$0x2430];
	_ =	sdelay $0x4  }
0xc1: {  	[tilespmem:s11+$0xFFFFFE90] =	vst v0  }
0xc2: {  	v0 =	vld [tilespmem:s17+$0x2440];
	_ =	sdelay $0x4  }
0xc3: {  	[tilespmem:s11+$0xFFFFFF00] =	vst v0  }
0xc4: {  	v0 =	vld [tilespmem:s17+$0x2450];
	_ =	sdelay $0x4  }
0xc5: {  	[tilespmem:s11+$0xFFFFFF10] =	vst v0  }
0xc6: {  	v0 =	vld [tilespmem:s17+$0x2460];
	_ =	sdelay $0x4  }
0xc7: {  	[tilespmem:s11+$0xFFFFFF80] =	vst v0  }
0xc8: {  	v0 =	vld [tilespmem:s17+$0x2470];
	_ =	sdelay $0x4  }
0xc9: {  	[tilespmem:s11+$0xFFFFFF90] =	vst v0  }
0xca: {  	v0 =	vld [tilespmem:s17+$0x2480];
	_ =	sdelay $0x4  }
0xcb: {  	[tilespmem:s11+$0x0] =	vst v0  }
0xcc: {  	v0 =	vld [tilespmem:s17+$0x2490];
	_ =	sdelay $0x4  }
0xcd: {  	[tilespmem:s11+$0x10] =	vst v0  }
0xce: {  	v0 =	vld [tilespmem:s17+$0x24A0];
	_ =	sdelay $0x4  }
0xcf: {  	[tilespmem:s11+$0x80] =	vst v0  }
0xd0: {  	v0 =	vld [tilespmem:s17+$0x24B0];
	_ =	sdelay $0x4  }
0xd1: {  	[tilespmem:s11+$0x90] =	vst v0  }
0xd2: {  	v0 =	vld [tilespmem:s17+$0x24C0];
	_ =	sdelay $0x4  }
0xd3: {  	[tilespmem:s11+$0x100] =	vst v0  }
0xd4: {  	v0 =	vld [tilespmem:s17+$0x24D0];
	_ =	sdelay $0x4  }
0xd5: {  	[tilespmem:s11+$0x110] =	vst v0  }
0xd6: {  	v0 =	vld [tilespmem:s17+$0x24E0];
	_ =	sdelay $0x4  }
0xd7: {  	[tilespmem:s11+$0x180] =	vst v0  }
0xd8: {  	v0 =	vld [tilespmem:s17+$0x24F0];
	_ =	sdelay $0x4  }
0xd9: {  	s12 =	simm.s32 $0x100;
	s16 =	simm.s32 $0x800;
	[tilespmem:s11+$0x190] =	vst v0  }
.LBB2_5:
0xda: {  	p0 =	sne.s32 s16, $0x7C00;
	v0 =	vld [tilespmem:s12+$0x2400];
	_ =	sdelay $0x3  }
0xdb: {  	s11 =	sadd.s32 $0x400, s11  }
0xdc: {  	[tilespmem:s11+$0xFFFFFE00] =	vst v0  }
0xdd: {  	v0 =	vld [tilespmem:s12+$0x2410];
	_ =	sdelay $0x4  }
0xde: {  	[tilespmem:s11+$0xFFFFFE10] =	vst v0  }
0xdf: {  	v0 =	vld [tilespmem:s12+$0x2420];
	_ =	sdelay $0x4  }
0xe0: {  	[tilespmem:s11+$0xFFFFFE80] =	vst v0  }
0xe1: {  	v0 =	vld [tilespmem:s12+$0x2430];
	_ =	sdelay $0x4  }
0xe2: {  	[tilespmem:s11+$0xFFFFFE90] =	vst v0  }
0xe3: {  	v0 =	vld [tilespmem:s12+$0x2440];
	_ =	sdelay $0x4  }
0xe4: {  	[tilespmem:s11+$0xFFFFFF00] =	vst v0  }
0xe5: {  	v0 =	vld [tilespmem:s12+$0x2450];
	_ =	sdelay $0x4  }
0xe6: {  	[tilespmem:s11+$0xFFFFFF10] =	vst v0  }
0xe7: {  	v0 =	vld [tilespmem:s12+$0x2460];
	_ =	sdelay $0x4  }
0xe8: {  	[tilespmem:s11+$0xFFFFFF80] =	vst v0  }
0xe9: {  	v0 =	vld [tilespmem:s12+$0x2470];
	_ =	sdelay $0x4  }
0xea: {  	[tilespmem:s11+$0xFFFFFF90] =	vst v0  }
0xeb: {  	v0 =	vld [tilespmem:s12+$0x2480];
	_ =	sdelay $0x4  }
0xec: {  	[tilespmem:s11+$0x0] =	vst v0  }
0xed: {  	v0 =	vld [tilespmem:s12+$0x2490];
	_ =	sdelay $0x4  }
0xee: {  	[tilespmem:s11+$0x10] =	vst v0  }
0xef: {  	v0 =	vld [tilespmem:s12+$0x24A0];
	_ =	sdelay $0x4  }
0xf0: {  	[tilespmem:s11+$0x80] =	vst v0  }
0xf1: {  	v0 =	vld [tilespmem:s12+$0x24B0];
	_ =	sdelay $0x4  }
0xf2: {  	[tilespmem:s11+$0x90] =	vst v0  }
0xf3: {  	v0 =	vld [tilespmem:s12+$0x24C0];
	_ =	sdelay $0x4  }
0xf4: {  	[tilespmem:s11+$0x100] =	vst v0  }
0xf5: {  	v0 =	vld [tilespmem:s12+$0x24D0];
	_ =	sdelay $0x4  }
0xf6: {  	[tilespmem:s11+$0x110] =	vst v0  }
0xf7: {  	v0 =	vld [tilespmem:s12+$0x24E0];
	_ =	sdelay $0x4  }
0xf8: {  	[tilespmem:s11+$0x180] =	vst v0  }
0xf9: {  	v0 =	vld [tilespmem:s12+$0x24F0]  }
.Ltmp1:
0xfa: {  	(pc) =	sbr.rel @p0 .LBB2_5-.Ltmp1, $2  }
0xfb: {  	_ =	sdelay $0x2  }
0xfc: {  	s12 =	sshra.s32 s16, $0x2;
	s16 =	sadd.s32 $0x400, s16;
	[tilespmem:s11+$0x190] =	vst v0  }
0xfd: {  	v0 =	vld [tilespmem:s12+$0x2400];
	_ =	sdelay $0x3  }
0xfe: {  	s11 =	sadd.s32 $0x400, s11  }
0xff: {  	[tilespmem:s11+$0xFFFFFE00] =	vst v0  }
0x100: {  	v0 =	vld [tilespmem:s12+$0x2410];
	_ =	sdelay $0x4  }
0x101: {  	[tilespmem:s11+$0xFFFFFE10] =	vst v0  }
0x102: {  	v0 =	vld [tilespmem:s12+$0x2420];
	_ =	sdelay $0x4  }
0x103: {  	[tilespmem:s11+$0xFFFFFE80] =	vst v0  }
0x104: {  	v0 =	vld [tilespmem:s12+$0x2430];
	_ =	sdelay $0x4  }
0x105: {  	[tilespmem:s11+$0xFFFFFE90] =	vst v0  }
0x106: {  	v0 =	vld [tilespmem:s12+$0x2440];
	_ =	sdelay $0x4  }
0x107: {  	[tilespmem:s11+$0xFFFFFF00] =	vst v0  }
0x108: {  	v0 =	vld [tilespmem:s12+$0x2450];
	_ =	sdelay $0x4  }
0x109: {  	[tilespmem:s11+$0xFFFFFF10] =	vst v0  }
0x10a: {  	v0 =	vld [tilespmem:s12+$0x2460];
	_ =	sdelay $0x4  }
0x10b: {  	[tilespmem:s11+$0xFFFFFF80] =	vst v0  }
0x10c: {  	v0 =	vld [tilespmem:s12+$0x2470];
	_ =	sdelay $0x4  }
0x10d: {  	[tilespmem:s11+$0xFFFFFF90] =	vst v0  }
0x10e: {  	v0 =	vld [tilespmem:s12+$0x2480];
	_ =	sdelay $0x4  }
0x10f: {  	[tilespmem:s11+$0x0] =	vst v0  }
0x110: {  	v0 =	vld [tilespmem:s12+$0x2490];
	_ =	sdelay $0x4  }
0x111: {  	[tilespmem:s11+$0x10] =	vst v0  }
0x112: {  	v0 =	vld [tilespmem:s12+$0x24A0];
	_ =	sdelay $0x4  }
0x113: {  	[tilespmem:s11+$0x80] =	vst v0  }
0x114: {  	v0 =	vld [tilespmem:s12+$0x24B0];
	_ =	sdelay $0x4  }
0x115: {  	[tilespmem:s11+$0x90] =	vst v0  }
0x116: {  	v0 =	vld [tilespmem:s12+$0x24C0];
	_ =	sdelay $0x4  }
0x117: {  	[tilespmem:s11+$0x100] =	vst v0  }
0x118: {  	v0 =	vld [tilespmem:s12+$0x24D0];
	_ =	sdelay $0x4  }
0x119: {  	[tilespmem:s11+$0x110] =	vst v0  }
0x11a: {  	v0 =	vld [tilespmem:s12+$0x24E0];
	_ =	sdelay $0x4  }
0x11b: {  	[tilespmem:s11+$0x180] =	vst v0  }
0x11c: {  	s9 =	sadd.s32 $0x1, s9;
	v0 =	vld [tilespmem:s12+$0x24F0]  }
0x11d: {  	p0 =	sne.s32 s9, $0x31  }
.Ltmp2:
0x11e: {  	_ = 	snop;
	(pc) =	sbr.rel @p0 .LBB2_2-.Ltmp2, $4  }
0x11f: {  	s10 =	sadd.s32 s10, s15  }
0x120: {  	s10 =	sshrl.u32 s10, $0x3  }
0x121: {  	s10 =	sadd.s32 s7, s10;
	[tilespmem:s11+$0x190] =	vst v0  }
0x122: {  	[hbm4b:s10+s3] =	stream.linear.scatter [tilespmem:s26], [sflag:$0x6], $0x8000, $0x38;
	[tilespmem:$0x14400] =	vst v63  }
0x123: {  	_ =	swait.ge [sflag:s0], $0x8000  }
0x124: {  	[sflag:s0] =	ssyncset.done $0x0  }
0x125: {  	[sflag:s0] =	ssyncadd.s32 $0xFFFF8000  }
0x126: {  	_ =	swait.ge [sflag:s25], $0x100  }
0x127: {  	[sflag:s25] =	ssyncset.done $0x0  }
0x128: {  	[sflag:s25] =	ssyncadd.s32 $0xFFFFFF00  }
0x129: {  	_ =	swait.ge [sflag:s25], $0x100  }
0x12a: {  	[sflag:s25] =	ssyncset.done $0x0  }
0x12b: {  	[sflag:s25] =	ssyncadd.s32 $0xFFFFFF00  }
0x12c: {  	[tilespmem:s26], [sflag:$0x4] =	stream.indirect.gather [hbm4b:s4+s20], $0x80, s20, s20, $0xb8;
	[tilespmem:$0x14400] =	vst v63  }
0x12d: {  	_ = 	snop  }
0x12e: {  	[tilespmem:s28], [sflag:$0x4] =	stream.indirect.gather [hbm4b:s2+s20], $0x20, s21, s20, $0xb8;
	[tilespmem:$0x14400] =	vst v63  }
0x12f: {  	_ =	swait.ge [sflag:s29], $0x8000  }
0x130: {  	[sflag:s29] =	ssyncset.done $0x0  }
0x131: {  	[sflag:s29] =	ssyncadd.s32 $0xFFFF8000  }
0x132: {  	_ =	swait.ge [sflag:s29], $0x2000  }
0x133: {  	[sflag:s29] =	ssyncset.done $0x0  }
0x134: {  	s10 =	simm.s32 $0x0;
	[sflag:s29] =	ssyncadd.s32 $0xFFFFE000  }
0x135: {  	v0 =	vld [tilespmem:s10+$0x400];
	_ =	sdelay $0x3  }
0x136: {  	s9 =	simm.s32 $0x4640  }
0x137: {  	[tilespmem:s9+$0xFFFFFE00] =	vst v0  }
0x138: {  	v0 =	vld [tilespmem:s10+$0x410];
	_ =	sdelay $0x4  }
0x139: {  	[tilespmem:s9+$0xFFFFFE10] =	vst v0  }
0x13a: {  	v0 =	vld [tilespmem:s10+$0x420];
	_ =	sdelay $0x4  }
0x13b: {  	[tilespmem:s9+$0xFFFFFE80] =	vst v0  }
0x13c: {  	v0 =	vld [tilespmem:s10+$0x430];
	_ =	sdelay $0x4  }
0x13d: {  	[tilespmem:s9+$0xFFFFFE90] =	vst v0  }
0x13e: {  	v0 =	vld [tilespmem:s10+$0x440];
	_ =	sdelay $0x4  }
0x13f: {  	[tilespmem:s9+$0xFFFFFF00] =	vst v0  }
0x140: {  	v0 =	vld [tilespmem:s10+$0x450];
	_ =	sdelay $0x4  }
0x141: {  	[tilespmem:s9+$0xFFFFFF10] =	vst v0  }
0x142: {  	v0 =	vld [tilespmem:s10+$0x460];
	_ =	sdelay $0x4  }
0x143: {  	[tilespmem:s9+$0xFFFFFF80] =	vst v0  }
0x144: {  	v0 =	vld [tilespmem:s10+$0x470];
	_ =	sdelay $0x4  }
0x145: {  	[tilespmem:s9+$0xFFFFFF90] =	vst v0  }
0x146: {  	v0 =	vld [tilespmem:s10+$0x480];
	_ =	sdelay $0x4  }
0x147: {  	[tilespmem:s9+$0x0] =	vst v0  }
0x148: {  	v0 =	vld [tilespmem:s10+$0x490];
	_ =	sdelay $0x4  }
0x149: {  	[tilespmem:s9+$0x10] =	vst v0  }
0x14a: {  	v0 =	vld [tilespmem:s10+$0x4A0];
	_ =	sdelay $0x4  }
0x14b: {  	[tilespmem:s9+$0x80] =	vst v0  }
0x14c: {  	v0 =	vld [tilespmem:s10+$0x4B0];
	_ =	sdelay $0x4  }
0x14d: {  	[tilespmem:s9+$0x90] =	vst v0  }
0x14e: {  	v0 =	vld [tilespmem:s10+$0x4C0];
	_ =	sdelay $0x4  }
0x14f: {  	[tilespmem:s9+$0x100] =	vst v0  }
0x150: {  	v0 =	vld [tilespmem:s10+$0x4D0];
	_ =	sdelay $0x4  }
0x151: {  	[tilespmem:s9+$0x110] =	vst v0  }
0x152: {  	v0 =	vld [tilespmem:s10+$0x4E0];
	_ =	sdelay $0x4  }
0x153: {  	[tilespmem:s9+$0x180] =	vst v0  }
0x154: {  	v0 =	vld [tilespmem:s10+$0x4F0];
	_ =	sdelay $0x4  }
0x155: {  	s11 =	simm.s32 $0x800;
	s10 =	simm.s32 $0x100;
	[tilespmem:s9+$0x190] =	vst v0  }
.LBB2_8:
0x156: {  	p0 =	sne.s32 s11, $0x7C00;
	v0 =	vld [tilespmem:s10+$0x400];
	_ =	sdelay $0x3  }
0x157: {  	s9 =	sadd.s32 $0x400, s9  }
0x158: {  	[tilespmem:s9+$0xFFFFFE00] =	vst v0  }
0x159: {  	v0 =	vld [tilespmem:s10+$0x410];
	_ =	sdelay $0x4  }
0x15a: {  	[tilespmem:s9+$0xFFFFFE10] =	vst v0  }
0x15b: {  	v0 =	vld [tilespmem:s10+$0x420];
	_ =	sdelay $0x4  }
0x15c: {  	[tilespmem:s9+$0xFFFFFE80] =	vst v0  }
0x15d: {  	v0 =	vld [tilespmem:s10+$0x430];
	_ =	sdelay $0x4  }
0x15e: {  	[tilespmem:s9+$0xFFFFFE90] =	vst v0  }
0x15f: {  	v0 =	vld [tilespmem:s10+$0x440];
	_ =	sdelay $0x4  }
0x160: {  	[tilespmem:s9+$0xFFFFFF00] =	vst v0  }
0x161: {  	v0 =	vld [tilespmem:s10+$0x450];
	_ =	sdelay $0x4  }
0x162: {  	[tilespmem:s9+$0xFFFFFF10] =	vst v0  }
0x163: {  	v0 =	vld [tilespmem:s10+$0x460];
	_ =	sdelay $0x4  }
0x164: {  	[tilespmem:s9+$0xFFFFFF80] =	vst v0  }
0x165: {  	v0 =	vld [tilespmem:s10+$0x470];
	_ =	sdelay $0x4  }
0x166: {  	[tilespmem:s9+$0xFFFFFF90] =	vst v0  }
0x167: {  	v0 =	vld [tilespmem:s10+$0x480];
	_ =	sdelay $0x4  }
0x168: {  	[tilespmem:s9+$0x0] =	vst v0  }
0x169: {  	v0 =	vld [tilespmem:s10+$0x490];
	_ =	sdelay $0x4  }
0x16a: {  	[tilespmem:s9+$0x10] =	vst v0  }
0x16b: {  	v0 =	vld [tilespmem:s10+$0x4A0];
	_ =	sdelay $0x4  }
0x16c: {  	[tilespmem:s9+$0x80] =	vst v0  }
0x16d: {  	v0 =	vld [tilespmem:s10+$0x4B0];
	_ =	sdelay $0x4  }
0x16e: {  	[tilespmem:s9+$0x90] =	vst v0  }
0x16f: {  	v0 =	vld [tilespmem:s10+$0x4C0];
	_ =	sdelay $0x4  }
0x170: {  	[tilespmem:s9+$0x100] =	vst v0  }
0x171: {  	v0 =	vld [tilespmem:s10+$0x4D0];
	_ =	sdelay $0x4  }
0x172: {  	[tilespmem:s9+$0x110] =	vst v0  }
0x173: {  	v0 =	vld [tilespmem:s10+$0x4E0];
	_ =	sdelay $0x4  }
0x174: {  	[tilespmem:s9+$0x180] =	vst v0  }
0x175: {  	v0 =	vld [tilespmem:s10+$0x4F0]  }
.Ltmp3:
0x176: {  	(pc) =	sbr.rel @p0 .LBB2_8-.Ltmp3, $2  }
0x177: {  	_ =	sdelay $0x2  }
0x178: {  	s10 =	sshra.s32 s11, $0x2;
	s11 =	sadd.s32 $0x400, s11;
	[tilespmem:s9+$0x190] =	vst v0  }
0x179: {  	v0 =	vld [tilespmem:s10+$0x400];
	_ =	sdelay $0x3  }
0x17a: {  	s9 =	sadd.s32 $0x400, s9  }
0x17b: {  	[tilespmem:s9+$0xFFFFFE00] =	vst v0  }
0x17c: {  	v0 =	vld [tilespmem:s10+$0x410];
	_ =	sdelay $0x4  }
0x17d: {  	[tilespmem:s9+$0xFFFFFE10] =	vst v0  }
0x17e: {  	v0 =	vld [tilespmem:s10+$0x420];
	_ =	sdelay $0x4  }
0x17f: {  	[tilespmem:s9+$0xFFFFFE80] =	vst v0  }
0x180: {  	v0 =	vld [tilespmem:s10+$0x430];
	_ =	sdelay $0x4  }
0x181: {  	[tilespmem:s9+$0xFFFFFE90] =	vst v0  }
0x182: {  	v0 =	vld [tilespmem:s10+$0x440];
	_ =	sdelay $0x4  }
0x183: {  	[tilespmem:s9+$0xFFFFFF00] =	vst v0  }
0x184: {  	v0 =	vld [tilespmem:s10+$0x450];
	_ =	sdelay $0x4  }
0x185: {  	[tilespmem:s9+$0xFFFFFF10] =	vst v0  }
0x186: {  	v0 =	vld [tilespmem:s10+$0x460];
	_ =	sdelay $0x4  }
0x187: {  	[tilespmem:s9+$0xFFFFFF80] =	vst v0  }
0x188: {  	v0 =	vld [tilespmem:s10+$0x470];
	_ =	sdelay $0x4  }
0x189: {  	[tilespmem:s9+$0xFFFFFF90] =	vst v0  }
0x18a: {  	v0 =	vld [tilespmem:s10+$0x480];
	_ =	sdelay $0x4  }
0x18b: {  	[tilespmem:s9+$0x0] =	vst v0  }
0x18c: {  	v0 =	vld [tilespmem:s10+$0x490];
	_ =	sdelay $0x4  }
0x18d: {  	[tilespmem:s9+$0x10] =	vst v0  }
0x18e: {  	v0 =	vld [tilespmem:s10+$0x4A0];
	_ =	sdelay $0x4  }
0x18f: {  	[tilespmem:s9+$0x80] =	vst v0  }
0x190: {  	v0 =	vld [tilespmem:s10+$0x4B0];
	_ =	sdelay $0x4  }
0x191: {  	[tilespmem:s9+$0x90] =	vst v0  }
0x192: {  	v0 =	vld [tilespmem:s10+$0x4C0];
	_ =	sdelay $0x4  }
0x193: {  	[tilespmem:s9+$0x100] =	vst v0  }
0x194: {  	v0 =	vld [tilespmem:s10+$0x4D0];
	_ =	sdelay $0x4  }
0x195: {  	[tilespmem:s9+$0x110] =	vst v0  }
0x196: {  	v0 =	vld [tilespmem:s10+$0x4E0];
	_ =	sdelay $0x4  }
0x197: {  	[tilespmem:s9+$0x180] =	vst v0  }
0x198: {  	v0 =	vld [tilespmem:s10+$0x4F0];
	_ =	sdelay $0x4  }
0x199: {  	s12 =	simm.s32 $0x0;
	s16 =	rddreg [dreg:$0x7];
	[tilespmem:s9+$0x190] =	vst v0  }
0x19a: {  	[hbm4b:s16+s12] =	stream.linear.scatter [tilespmem:s23], [sflag:$0x5], $0x8000, $0x38;
	[tilespmem:$0x14400] =	vst v63  }
0x19b: {  	_ =	swait.ge [sflag:s31], $0x8000  }
0x19c: {  	[sflag:s31] =	ssyncset.done $0x0  }
0x19d: {  	[sflag:s31] =	ssyncadd.s32 $0xFFFF8000  }
0x19e: {  	_ =	swait.ge [sflag:s31], $0x2000  }
0x19f: {  	[sflag:s31] =	ssyncset.done $0x0  }
0x1a0: {  	s17 =	simm.s32 $0x0;
	[sflag:s31] =	ssyncadd.s32 $0xFFFFE000  }
0x1a1: {  	v63 =	vld [tilespmem:s17+$0x2400];
	_ =	sdelay $0x3  }
0x1a2: {  	s9 =	simm.s32 $0xC640  }
0x1a3: {  	[tilespmem:s9+$0xFFFFFE00] =	vst v63  }
0x1a4: {  	v0 =	vld [tilespmem:s17+$0x2410];
	_ =	sdelay $0x4  }
0x1a5: {  	[tilespmem:s9+$0xFFFFFE10] =	vst v0  }
0x1a6: {  	v0 =	vld [tilespmem:s17+$0x2420];
	_ =	sdelay $0x4  }
0x1a7: {  	[tilespmem:s9+$0xFFFFFE80] =	vst v0  }
0x1a8: {  	v0 =	vld [tilespmem:s17+$0x2430];
	_ =	sdelay $0x4  }
0x1a9: {  	[tilespmem:s9+$0xFFFFFE90] =	vst v0  }
0x1aa: {  	v0 =	vld [tilespmem:s17+$0x2440];
	_ =	sdelay $0x4  }
0x1ab: {  	[tilespmem:s9+$0xFFFFFF00] =	vst v0  }
0x1ac: {  	v0 =	vld [tilespmem:s17+$0x2450];
	_ =	sdelay $0x4  }
0x1ad: {  	[tilespmem:s9+$0xFFFFFF10] =	vst v0  }
0x1ae: {  	v0 =	vld [tilespmem:s17+$0x2460];
	_ =	sdelay $0x4  }
0x1af: {  	[tilespmem:s9+$0xFFFFFF80] =	vst v0  }
0x1b0: {  	v0 =	vld [tilespmem:s17+$0x2470];
	_ =	sdelay $0x4  }
0x1b1: {  	[tilespmem:s9+$0xFFFFFF90] =	vst v0  }
0x1b2: {  	v0 =	vld [tilespmem:s17+$0x2480];
	_ =	sdelay $0x4  }
0x1b3: {  	[tilespmem:s9+$0x0] =	vst v0  }
0x1b4: {  	v0 =	vld [tilespmem:s17+$0x2490];
	_ =	sdelay $0x4  }
0x1b5: {  	[tilespmem:s9+$0x10] =	vst v0  }
0x1b6: {  	v0 =	vld [tilespmem:s17+$0x24A0];
	_ =	sdelay $0x4  }
0x1b7: {  	[tilespmem:s9+$0x80] =	vst v0  }
0x1b8: {  	v0 =	vld [tilespmem:s17+$0x24B0];
	_ =	sdelay $0x4  }
0x1b9: {  	[tilespmem:s9+$0x90] =	vst v0  }
0x1ba: {  	v0 =	vld [tilespmem:s17+$0x24C0];
	_ =	sdelay $0x4  }
0x1bb: {  	[tilespmem:s9+$0x100] =	vst v0  }
0x1bc: {  	v0 =	vld [tilespmem:s17+$0x24D0];
	_ =	sdelay $0x4  }
0x1bd: {  	[tilespmem:s9+$0x110] =	vst v0  }
0x1be: {  	v0 =	vld [tilespmem:s17+$0x24E0];
	_ =	sdelay $0x4  }
0x1bf: {  	[tilespmem:s9+$0x180] =	vst v0  }
0x1c0: {  	v0 =	vld [tilespmem:s17+$0x24F0];
	_ =	sdelay $0x4  }
0x1c1: {  	s11 =	simm.s32 $0x800;
	s10 =	simm.s32 $0x100;
	[tilespmem:s9+$0x190] =	vst v0  }
.LBB2_10:
0x1c2: {  	p0 =	sne.s32 s11, $0x7C00;
	v0 =	vld [tilespmem:s10+$0x2400];
	_ =	sdelay $0x3  }
0x1c3: {  	s9 =	sadd.s32 $0x400, s9  }
0x1c4: {  	[tilespmem:s9+$0xFFFFFE00] =	vst v0  }
0x1c5: {  	v0 =	vld [tilespmem:s10+$0x2410];
	_ =	sdelay $0x4  }
0x1c6: {  	[tilespmem:s9+$0xFFFFFE10] =	vst v0  }
0x1c7: {  	v0 =	vld [tilespmem:s10+$0x2420];
	_ =	sdelay $0x4  }
0x1c8: {  	[tilespmem:s9+$0xFFFFFE80] =	vst v0  }
0x1c9: {  	v0 =	vld [tilespmem:s10+$0x2430];
	_ =	sdelay $0x4  }
0x1ca: {  	[tilespmem:s9+$0xFFFFFE90] =	vst v0  }
0x1cb: {  	v0 =	vld [tilespmem:s10+$0x2440];
	_ =	sdelay $0x4  }
0x1cc: {  	[tilespmem:s9+$0xFFFFFF00] =	vst v0  }
0x1cd: {  	v0 =	vld [tilespmem:s10+$0x2450];
	_ =	sdelay $0x4  }
0x1ce: {  	[tilespmem:s9+$0xFFFFFF10] =	vst v0  }
0x1cf: {  	v0 =	vld [tilespmem:s10+$0x2460];
	_ =	sdelay $0x4  }
0x1d0: {  	[tilespmem:s9+$0xFFFFFF80] =	vst v0  }
0x1d1: {  	v0 =	vld [tilespmem:s10+$0x2470];
	_ =	sdelay $0x4  }
0x1d2: {  	[tilespmem:s9+$0xFFFFFF90] =	vst v0  }
0x1d3: {  	v0 =	vld [tilespmem:s10+$0x2480];
	_ =	sdelay $0x4  }
0x1d4: {  	[tilespmem:s9+$0x0] =	vst v0  }
0x1d5: {  	v0 =	vld [tilespmem:s10+$0x2490];
	_ =	sdelay $0x4  }
0x1d6: {  	[tilespmem:s9+$0x10] =	vst v0  }
0x1d7: {  	v0 =	vld [tilespmem:s10+$0x24A0];
	_ =	sdelay $0x4  }
0x1d8: {  	[tilespmem:s9+$0x80] =	vst v0  }
0x1d9: {  	v0 =	vld [tilespmem:s10+$0x24B0];
	_ =	sdelay $0x4  }
0x1da: {  	[tilespmem:s9+$0x90] =	vst v0  }
0x1db: {  	v0 =	vld [tilespmem:s10+$0x24C0];
	_ =	sdelay $0x4  }
0x1dc: {  	[tilespmem:s9+$0x100] =	vst v0  }
0x1dd: {  	v0 =	vld [tilespmem:s10+$0x24D0];
	_ =	sdelay $0x4  }
0x1de: {  	[tilespmem:s9+$0x110] =	vst v0  }
0x1df: {  	v0 =	vld [tilespmem:s10+$0x24E0];
	_ =	sdelay $0x4  }
0x1e0: {  	[tilespmem:s9+$0x180] =	vst v0  }
0x1e1: {  	v0 =	vld [tilespmem:s10+$0x24F0]  }
.Ltmp4:
0x1e2: {  	(pc) =	sbr.rel @p0 .LBB2_10-.Ltmp4, $2  }
0x1e3: {  	_ =	sdelay $0x2  }
0x1e4: {  	s10 =	sshra.s32 s11, $0x2;
	s11 =	sadd.s32 $0x400, s11;
	[tilespmem:s9+$0x190] =	vst v0  }
0x1e5: {  	v0 =	vld [tilespmem:s10+$0x2400];
	_ =	sdelay $0x3  }
0x1e6: {  	s9 =	sadd.s32 $0x400, s9  }
0x1e7: {  	[tilespmem:s9+$0xFFFFFE00] =	vst v0  }
0x1e8: {  	v0 =	vld [tilespmem:s10+$0x2410];
	_ =	sdelay $0x4  }
0x1e9: {  	[tilespmem:s9+$0xFFFFFE10] =	vst v0  }
0x1ea: {  	v0 =	vld [tilespmem:s10+$0x2420];
	_ =	sdelay $0x4  }
0x1eb: {  	[tilespmem:s9+$0xFFFFFE80] =	vst v0  }
0x1ec: {  	v0 =	vld [tilespmem:s10+$0x2430];
	_ =	sdelay $0x4  }
0x1ed: {  	[tilespmem:s9+$0xFFFFFE90] =	vst v0  }
0x1ee: {  	v0 =	vld [tilespmem:s10+$0x2440];
	_ =	sdelay $0x4  }
0x1ef: {  	[tilespmem:s9+$0xFFFFFF00] =	vst v0  }
0x1f0: {  	v0 =	vld [tilespmem:s10+$0x2450];
	_ =	sdelay $0x4  }
0x1f1: {  	[tilespmem:s9+$0xFFFFFF10] =	vst v0  }
0x1f2: {  	v0 =	vld [tilespmem:s10+$0x2460];
	_ =	sdelay $0x4  }
0x1f3: {  	[tilespmem:s9+$0xFFFFFF80] =	vst v0  }
0x1f4: {  	v0 =	vld [tilespmem:s10+$0x2470];
	_ =	sdelay $0x4  }
0x1f5: {  	[tilespmem:s9+$0xFFFFFF90] =	vst v0  }
0x1f6: {  	v0 =	vld [tilespmem:s10+$0x2480];
	_ =	sdelay $0x4  }
0x1f7: {  	[tilespmem:s9+$0x0] =	vst v0  }
0x1f8: {  	v0 =	vld [tilespmem:s10+$0x2490];
	_ =	sdelay $0x4  }
0x1f9: {  	[tilespmem:s9+$0x10] =	vst v0  }
0x1fa: {  	v0 =	vld [tilespmem:s10+$0x24A0];
	_ =	sdelay $0x4  }
0x1fb: {  	[tilespmem:s9+$0x80] =	vst v0  }
0x1fc: {  	v0 =	vld [tilespmem:s10+$0x24B0];
	_ =	sdelay $0x4  }
0x1fd: {  	[tilespmem:s9+$0x90] =	vst v0  }
0x1fe: {  	v0 =	vld [tilespmem:s10+$0x24C0];
	_ =	sdelay $0x4  }
0x1ff: {  	[tilespmem:s9+$0x100] =	vst v0  }
0x200: {  	v0 =	vld [tilespmem:s10+$0x24D0];
	_ =	sdelay $0x4  }
0x201: {  	[tilespmem:s9+$0x110] =	vst v0  }
0x202: {  	v0 =	vld [tilespmem:s10+$0x24E0];
	_ =	sdelay $0x4  }
0x203: {  	[tilespmem:s9+$0x180] =	vst v0  }
0x204: {  	v0 =	vld [tilespmem:s10+$0x24F0];
	_ =	sdelay $0x4  }
0x205: {  	s17 =	rddreg [dreg:$0x8];
	s1 =	sadd.s32 $0x1, s1;
	[tilespmem:s9+$0x190] =	vst v0  }
0x206: {  	[hbm4b:s17+s3] =	stream.linear.scatter [tilespmem:s26], [sflag:$0x6], $0x8000, $0x38;
	[tilespmem:$0x14400] =	vst v63  }
0x207: {  	p0 =	sne.s32 s1, s18;
	_ =	swait.ge [sflag:s0], $0x8000  }
.Ltmp5:
0x208: {  	[sflag:s0] =	ssyncset.done $0x0;
	(pc) =	sbr.rel @p0 .LBB2_1-.Ltmp5, $4  }
0x209: {  	[sflag:s0] =	ssyncadd.s32 $0xFFFF8000  }
0x20a: {  	_ =	swait.ge [sflag:s30], $0x8000  }
0x20b: {  	[sflag:s30] =	ssyncset.done $0x0  }
0x20c: {  	[sflag:s30] =	ssyncadd.s32 $0xFFFF8000  }
0x20d: {  	_ =	sfence.sel $0x180000  }
0x20e: {  	[bflag:$0x0] =	sbarrier.arrive $0xFFFF  }
0x20f: {  	_ =	strace $0x90000047  }
0x210: {  	s0 =	stileid.u32;
	[bflag:$0x2] =	sbarrier.arrive $0xFFFF  }
0x211: {  	p0 =	sne.s32 s0, $0x0;
	s0 =	rddreg [dreg:$0x2]  }
0x212: {  	s0 =	sadd.s32 @!p0 $0x100000, s0  }
0x213: {  	[sflag:s0] =	ssyncadd.tile.s32 @!p0 $0x1;
	_ =	shalt  }
.Lfunc_end2:
_tile_overlayer_lowered:
.L_overlay_start_2:
0x214: {  	(tag) =	ssettag $0x2  }
0x215: {  	s0 =	rddreg [dreg:$0x0];
	s2 =	stileid.u32  }
0x216: {  	s1 =	rddreg [dreg:$0x1];
	p0 =	sne.s32 s2, $0x0  }
0x217: {  	s3 =	rddreg [dreg:$0x2];
	[bflag:$0x3] =	sbarrier.arrive $0xFFFF;
	s2 =	simm.s32 @!p0 $0x1C07  }
0x218: {  	[timem:s3], [sflag:s2] =	dma.local @!p0 [hbm:s0], s1  }
0x219: {  	s0 =	simm.s32 @!p0 $0x7  }
0x21a: {  	_ =	swait.ge @!p0 [sflag:s0], s1  }
0x21b: {  	s1 =	ssub.s32 @!p0 $0x0, s1;
	[sflag:s0] =	ssyncset.done @!p0 $0x0  }
0x21c: {  	[sflag:s0] =	ssyncadd.s32 @!p0 s1  }
0x21d: {  	[bflag:$0x3] =	sbarrier.arrive $0xFFFF  }
0x21e: {  	_ =	shalt  }

// kernel: sparse-core-data-format-call.cloned.1.call-start
scs
called_computation_lowered:
.L_overlay_start_0:
0x0: {  	s2 =	sld [smem:$0x3FD9]  }
0x1: {  	s3 =	sld [smem:$0x3FFE];
	_ =	sdelay $0x1  }
0x2: {  	s1 =	srdreg.scid  }
0x3: {  	s0 =	sand.u32 $0x1, s1  }
0x4: {  	s18 =	sshll.u32 s0, $0xA;
	s2 =	sadd.s32 s3, s2  }
0x5: {  	s2 =	sadd.s32 s2, s18  }
0x6: {  	[smem:$0x3FC2] =	sst s2  }
0x7: {  	_ = 	snop  }
0x8: {  	s2 =	sld [smem:$0x3FD0];
	(tm) =	ssettm $0x1  }
0x9: {  	s19 =	sld [smem:$0x3FFB];
	_ =	sdelay $0x3  }
0xa: {  	_ =	strace s19  }
0xb: {  	s3 =	sld [smem:$0x3FFC];
	_ =	sdelay $0x3  }
0xc: {  	_ =	strace s3  }
0xd: {  	s3 =	sld [smem:$0x3FFD];
	_ =	sdelay $0x3  }
0xe: {  	_ =	strace s3  }
0xf: {  	_ =	strace $0x8FFFFFFF  }
0x10: {  	s20 =	sld [smem:$0x3FDB];
	_ =	sdelay $0x1  }
0x11: {  	s4 =	simm.s32 $_scs_section_size  }
0x12: {  	s5 =	simm.s32 $_size__tile_overlayer_lowered;
	s6 =	simm.s32 $_tile_overlayer_lowered  }
0x13: {  	s23 =	simm.s32 $0x1BFF;
	s22 =	sshll.u32 s6, $0x1;
	s3 =	sadd.s32 s4, s20  }
0x14: {  	s7 =	simm.s32 $0x0;
	s21 =	sshll.u32 s5, $0x1;
	s5 =	sadd.s32 s22, s3  }
0x15: {  	[timem:s7], [sflag:s23] =	dma.local [hbm:s5], s21  }
0x16: {  	_ =	swait.ge [sflag:s23], s21  }
0x17: {  	s4 =	ssub.s32 $0x0, s21;
	[sflag:s23] =	ssyncset.done $0x0  }
0x18: {  	[sflag:s23] =	ssyncadd.s32 s4;
	_ =	sdelay $0x1  }
0x19: {  	s24 =	simm.s32 $0x1B8B  }
0x1a: {  	_ =	swait.ge [sflag:s24], $0x1  }
0x1b: {  	[sflag:s24] =	ssyncset.done $0x0  }
0x1c: {  	s26 =	simm.s32 $0x1B8E;
	s25 =	sld [smem:$0x3FFE];
	[sflag:s24] =	ssyncadd.s32 $0xFFFFFFFF  }
0x1d: {  	s27 =	simm.s32 $execute0_lowered;
	[smem:$0x3FD2] =	sst s26  }
0x1e: {  	s5 =	sshll.u32 s27, $0x1;
	_ =	strace $0x80000049;
	[dreg:$0x1] =	wrdreg $0xFFFFFFFF  }
0x1f: {  	s28 =	simm.s32 $_size_execute0_lowered;
	s3 =	sadd.s32 s3, s5;
	[dreg:$0x0] =	wrdreg $0x0  }
0x20: {  	s5 =	sshll.u32 s28, $0x1;
	[dreg:$0x2] =	wrdreg s3  }
0x21: {  	[dreg:$0x3] =	wrdreg s5  }
0x22: {  	[dreg:$0x4] =	wrdreg $0xC0  }
0x23: {  	_ =	task [dreg:s7], $0x5FFFF  }
0x24: {  	[dreg:$0x1] =	wrdreg $0xFFFFFFFF  }
0x25: {  	[dreg:$0x0] =	wrdreg $0x60  }
0x26: {  	[dreg:$0x2] =	wrdreg s25  }
0x27: {  	[dreg:$0x3] =	wrdreg s2  }
0x28: {  	[dreg:$0x4] =	wrdreg $0x9  }
0x29: {  	_ =	task.clear_ibuf [dreg:s7], $0x5FFFF;
	_ =	strace $0x90000049  }
0x2a: {  	s29 =	simm.s32 $0x9;
	_ =	strace $0x8000004B  }
0x2b: {  	_ =	swait.ge [sflag:s29], $0x1  }
0x2c: {  	[sflag:s29] =	ssyncadd.s32 $0xFFFFFFFF  }
0x2d: {  	_ =	strace $0x9000004B  }
0x2e: {  	_ =	sfence  }
0x2f: {  	s30 =	sld [smem:$0x0];
	_ =	sdelay $0x2  }
0x30: {  	s31 =	sshll.u32 s1, $0xD;
	s1 =	sshrl.u32 s1, $0x2  }
0x31: {  	s3 =	sand.u32 $0x4000, s31;
	s1 =	sadd.s32 s1, s30  }
0x32: {  	s0 =	sor.u32 s3, s0;
	s1 =	sshll.u32 s1, $0x11  }
0x33: {  	s0 =	sor.u32 s1, s0  }
0x34: {  	s0 =	sadd.s32 $0x8F2B, s0  }
0x35: {  	[sflag:s0] =	ssyncadd.remote.s32 $0x1  }
0x36: {  	_ =	sfence.sel $0xFFFF  }
0x37: {  	[dreg:$0x0] =	wrdreg $0xFFFFFFFF;
	(pc) =	sbr.abs _section_cstart, $3  }
0x38: {  	[dreg:$0x1] =	wrdreg $0xFFFFFFFF  }
0x39: {  	_ =	task.clear_ibuf [dreg:s7], $0x2FFFF;
	_ =	strace $0x9FFFFFFF  }
0x3a: {  	(tm) =	ssettm $0x7FFFFFFF  }
0x3b: {  	_ =	shalt  }
tec
execute0_lowered:
.L_overlay_start_1:
0x0: {  	(tag) =	ssettag $0x1  }
0x1: {  	s0 =	srdreg.scid  }
0x2: {  	s1 =	sshll.u32 s0, $0x4  }
0x3: {  	s6 =	rddreg [dreg:$0x0];
	s0 =	stileid.u32;
	s1 =	sand.u32 $0x10, s1  }
0x4: {  	s3 =	rddreg [dreg:$0x1];
	s1 =	sor.u32 s0, s1  }
0x5: {  	s5 =	simm.s32 $0x1;
	s31 =	simm.s32 $0x2;
	s2 =	sshll.u32 s1, $0x7  }
0x6: {  	s15 =	simm.s32 $0x0;
	s8 =	simm.s32 $0x8000;
	s4 =	ssub.s32 $0x1000, s2  }
0x7: {  	s14 =	simm.s32 $0x0;
	s9 =	simm.s32 $0x0;
	s30 =	sand.u32 $0xF80, s4  }
0x8: {  	s10 =	simm.s32 $0x0;
	s11 =	simm.s32 $0x0;
	p0 =	sne.s32 s30, $0x0  }
.Ltmp0:
0x9: {  	s7 =	sshrl.u32 s4, $0xC;
	s5 =	simm.s32 @!p0 $0x0;
	(pc) =	sbr.rel .LBB1_1-.Ltmp0, $4  }
0xa: {  	s13 =	simm.s32 $0x0;
	s1 =	rddreg [dreg:$0x2];
	s5 =	sadd.s32 s5, s7  }
0xb: {  	_ =	strace $0x8000004A;
	s4 =	simm.s32 $0x1;
	s5 =	smul.u32 $0xC8, s5  }
0xc: {  	s6 =	sadd.s32 $0x1200, s6;
	s12 =	smov.u32 s2;
	[sflag:s4] =	ssyncpa.u1 $0x0  }
0xd: {  	[sflag:s31] =	ssyncpa.u1 $0x0;
	p0 =	por $0x0, $0x0;
	s7 =	sor.u32 $0x1, s5  }
.LBB1_4:
0xe: {  	s20 =	sshra.s32 s20, $0x2;
	s28 =	sshll.u32 s10, $0x3;
	p1 =	sgt.s32 s9, $0xC7  }
0xf: {  	s21 =	smov.u32 s9;
	s23 =	sshra.s32 s9, $0x1F;
	s24 =	smov.u32 s10  }
0x10: {  	v5 =	vld [tilespmem:s17+$0xFFFFFFD0];
	[tilespmem:s18+$0x2040 ss:$0x81] =	vst.msk $0xffff, v4;
	s25 =	sshra.s32 s10, $0x1F;
	s26 =	sand.u32 $0x78, s10;
	s19 =	sadd.s32 s20, s19  }
0x11: {  	v58 =	vld [tilespmem:s17+$0xFFFFFFE0];
	[tilespmem:s18+$0x2850 ss:$0x81] =	vst.msk $0xffff, v3;
	s22 =	sshrl.u32 s28, $0xC;
	s21 =	simm.s32 @!p1 $0xC7;
	s23 =	sand.u32 s23, s9  }
0x12: {  	v59 =	vld [tilespmem:s17+$0xFFFFFFF0];
	[tilespmem:s18+$0x3060 ss:$0x81] =	vst.msk $0xffff, v2;
	p1 =	sgt.s32 s10, $0xF80;
	s29 =	sand.u32 s25, s10;
	s20 =	sand.u32 $0xC00, s28  }
0x13: {  	v60 =	vld [tilespmem:s17+$0x0];
	[tilespmem:s18+$0x0 ss:$0x81] =	vst.msk $0xffff, v0;
	s28 =	smul.u32 $0xC000, s9;
	s21 =	ssub.s32 s21, s23;
	s24 =	simm.s32 @!p1 $0xF80  }
0x14: {  	v61 =	vld [tilespmem:s17+$0x10];
	s30 =	smulhi.u32 $0x2AAAAAB, s22;
	[tilespmem:s19+$0x3870 ss:$0x81] =	vst.msk $0xffff, v1;
	s20 =	sor.u32 s26, s20;
	s31 =	ssub.s32 $0xC8, s21  }
0x15: {  	v62 =	vld [tilespmem:s17+$0x20];
	s23 =	ssub.s32 s24, s29;
	s21 =	sadd.s32 $0xFFFFFF39, s21;
	s25 =	smul.u32 $0x60, s31;
	[tilespmem:s19+$0x810 ss:$0x81] =	vst.msk $0xffff, v5  }
0x16: {  	v63 =	vld [tilespmem:s17+$0xFFFFFFC0];
	s18 =	smul.u32 $0x60, s30;
	p1 =	sgt.s32 s21, $0x0;
	s27 =	sadd.s32 $0xFFFFF080, s23;
	[tilespmem:s19+$0x1020 ss:$0x81] =	vst.msk $0xffff, v58  }
0x17: {  	s17 =	ssub.s32 $0x1000, s23;
	[tilespmem:s19+$0x1830 ss:$0x81] =	vst.msk $0xffff, v59;
	s25 =	simm.s32 @p1 $0x0;
	p1 =	sgt.s32 s27, $0x7F  }
0x18: {  	s29 =	sand.u32 $0x7, s10;
	[tilespmem:s19+$0x2040 ss:$0x81] =	vst.msk $0xffff, v60;
	s18 =	ssub.s32 s22, s18;
	s17 =	simm.s32 @p1 $0x0  }
0x19: {  	s21 =	sadd.s32 s3, s28;
	[tilespmem:s19+$0x2850 ss:$0x81] =	vst.msk $0xffff, v61;
	s18 =	sshll.u32 s18, $0x9;
	s17 =	smul.u32 s17, s25  }
0x1a: {  	s20 =	sshrl.u32 s20, $0x3;
	s30 =	sshll.u32 s29, $0x12;
	[tilespmem:s19+$0x3060 ss:$0x81] =	vst.msk $0xffff, v62;
	s18 =	sadd.s32 s18, s21  }
0x1b: {  	[tilespmem:s19+$0x0 ss:$0x81] =	vst.msk $0xffff, v63;
	s31 =	sor.u32 $0x400, s30;
	s18 =	sadd.s32 s20, s18;
	s17 =	sand.u32 $0x3FFFFFE0, s17  }
0x1c: {  	[hbm4b:s18+s31] =	stream.strided.scatter [tilespmem:s16], [sflag:$0x2], s17, s8, s31, $0x20;
	[tilespmem:$0x10100] =	vst v63  }
.LBB1_5:
0x1d: {  	p1 =	slt.u32 s13, $0x2  }
0x1e: {  	s17 =	smov.u32 s15;
	p2 =	sgt.s32 @!p1 s15, $0xC7;
	s16 =	sshra.s32 @!p1 s15, $0x1F  }
0x1f: {  	p3 =	sgt.s32 @!p1 s14, $0xF80;
	s18 =	sshra.s32 @!p1 s14, $0x1F;
	p2 =	por !p2, p1  }
0x20: {  	s15 =	sand.u32 @!p1 s16, s15;
	p3 =	por !p3, p1;
	s16 =	smov.u32 s14  }
0x21: {  	s14 =	sand.u32 @!p1 s18, s14;
	s17 =	simm.s32 @p2 $0xC7;
	s16 =	simm.s32 @p3 $0xF80  }
0x22: {  	s18 =	smov.u32 s12;
	s15 =	ssub.s32 @!p1 s17, s15;
	s14 =	ssub.s32 @!p1 s16, s14  }
0x23: {  	s16 =	sadd.s32 @!p1 $0xFFFFFF39, s15;
	s15 =	ssub.s32 @!p1 $0xC8, s15;
	s17 =	sadd.s32 @!p1 $0xFFFFF080, s14  }
0x24: {  	p2 =	sgt.s32 @!p1 s16, $0x0;
	s15 =	smul.u32 @!p1 $0x60, s15;
	p3 =	sgt.s32 @!p1 s17, $0x7F  }
0x25: {  	s14 =	ssub.s32 @!p1 $0x1000, s14;
	p2 =	por !p2, p1;
	p3 =	por !p3, p1  }
0x26: {  	s16 =	sadd.s32 $0x1, s11;
	s15 =	simm.s32 @!p2 $0x0;
	s14 =	simm.s32 @!p3 $0x0  }
0x27: {  	p2 =	sgt.s32 s16, $0xC7;
	s14 =	smul.u32 @!p1 s14, s15;
	s15 =	sadd.s32 $0x1000, s12  }
0x28: {  	s18 =	smov.u32 @p2 s15  }
0x29: {  	s16 =	simm.s32 @p2 $0x0;
	p2 =	sgt.s32 s18, $0xFFF  }
0x2a: {  	s18 =	smov.u32 @p2 s2;
	p2 =	sne.s32 s13, s7  }
.Ltmp1:
0x2b: {  	p0 =	por !p0, !p0;
	s17 =	simm.s32 @!p1 $0x2;
	(pc) =	sbr.rel @!p2 .LBB1_6-.Ltmp1, $4  }
0x2c: {  	s15 =	smov.u32 s9;
	s9 =	smov.u32 s11;
	s14 =	sand.u32 @!p1 $0x3FFFFFE0, s14  }
0x2d: {  	s11 =	smov.u32 s16;
	_ =	swait.ge @!p1 [sflag:s17], s14;
	s19 =	ssub.s32 @!p1 $0x0, s14  }
0x2e: {  	s14 =	smov.u32 s10;
	s13 =	sadd.s32 $0x1, s13;
	[sflag:s17] =	ssyncset.done @!p1 $0x0  }
0x2f: {  	s10 =	smov.u32 s12;
	s12 =	smov.u32 s18;
	[sflag:s17] =	ssyncadd.s32 @!p1 s19  }
.LBB1_1:
0x30: {  	p1 =	sge.u32 s13, s5  }
0x31: {  	s16 =	sand.u32 @!p1 $0x1FFFFFF, s11  }
0x32: {  	s17 =	smulhi.u32 @!p1 $0x147AE15, s16;
	_ =	sdelay $0x1  }
0x33: {  	s17 =	smul.u32 @!p1 $0xC8, s17  }
0x34: {  	s18 =	sxor.u32 @!p1 $0xFFFFFFFF, s13;
	s19 =	smul.u32 @!p1 $0xC80, s12  }
0x35: {  	s31 =	sadd.s32 $0xFFFFFFFF, s13;
	s18 =	sshll.u32 @!p1 s18, $0xE;
	s16 =	ssub.s32 @!p1 s16, s17  }
0x36: {  	s17 =	sand.u32 @!p1 $0x4000, s18;
	s18 =	sadd.s32 @!p1 s6, s19;
	s16 =	sshll.u32 @!p1 s16, $0x4  }
0x37: {  	s19 =	simm.s32 @!p1 $0x6400;
	s16 =	sadd.s32 @!p1 s16, s18;
	s18 =	simm.s32 @!p1 $0x80  }
0x38: {  	[tilespmem:s17], [sflag:$0x1] =	stream.strided.gather @!p1 [hbm4b:s16+s18], $0x4000, s19, s18, $0x38;
	[tilespmem:$0x10100] =	vst v63  }
0x39: {  	p1 =	sge.u32 s31, s5  }
.Ltmp2:
0x3a: {  	_ = 	snop;
	(pc) =	sbr.rel @p1 .LBB1_5-.Ltmp2, $1  }
0x3b: {  	_ =	sdelay $0x3  }
0x3c: {  	s16 =	simm.s32 $0x1  }
0x3d: {  	_ =	swait.ge [sflag:s4], $0x4000;
	s16 =	simm.s32 @!p0 $0x0  }
0x3e: {  	[sflag:s4] =	ssyncset.done $0x0;
	s17 =	sshll.u32 s16, $0xE  }
0x3f: {  	[sflag:s4] =	ssyncadd.s32 $0xFFFFC000;
	s17 =	sor.u32 $0x40, s17  }
0x40: {  	s16 =	smul.u32 $0x10200, s16;
	v0 =	vld [tilespmem:s17+$0x30]  }
0x41: {  	v1 =	vld [tilespmem:s17+$0xFFFFFFD0]  }
0x42: {  	s16 =	sshrl.u32 s16, $0x2;
	v5 =	vld [tilespmem:s17+$0xFFFFFFE0]  }
0x43: {  	v6 =	vld [tilespmem:s17+$0xFFFFFFF0];
	s19 =	sor.u32 $0x8000, s16  }
0x44: {  	s31 =	sand.u32 $0x1, s13;
	v4 =	vld [tilespmem:s17+$0x0];
	s18 =	sadd.s32 $0x0, s19  }
0x45: {  	v3 =	vld [tilespmem:s17+$0x10];
	s16 =	smul.u32 $0x10200, s31;
	[tilespmem:s18+$0x3870 ss:$0x81] =	vst.msk $0xffff, v0  }
0x46: {  	v2 =	vld [tilespmem:s17+$0x20];
	[tilespmem:s18+$0x810 ss:$0x81] =	vst.msk $0xffff, v1  }
0x47: {  	s16 =	sshrl.u32 s16, $0x2;
	v0 =	vld [tilespmem:s17+$0xFFFFFFC0];
	[tilespmem:s18+$0x1020 ss:$0x81] =	vst.msk $0xffff, v5;
	s17 =	sadd.s32 $0x80, s17  }
0x48: {  	s20 =	simm.s32 $0x4;
	s21 =	simm.s32 $0x8;
	s16 =	sor.u32 $0x8000, s16;
	[tilespmem:s18+$0x1830 ss:$0x81] =	vst.msk $0xffff, v6;
	v1 =	vld [tilespmem:s17+$0x30]  }
.LBB1_3:
0x49: {  	p1 =	sne.s32 s21, $0x1FC;
	v5 =	vld [tilespmem:s17+$0xFFFFFFD0];
	[tilespmem:s18+$0x2040 ss:$0x81] =	vst.msk $0xffff, v4  }
0x4a: {  	v6 =	vld [tilespmem:s17+$0xFFFFFFE0];
	[tilespmem:s18+$0x2850 ss:$0x81] =	vst.msk $0xffff, v3  }
0x4b: {  	s22 =	sshra.s32 s20, $0x2;
	s20 =	smov.u32 s21;
	v7 =	vld [tilespmem:s17+$0xFFFFFFF0];
	[tilespmem:s18+$0x3060 ss:$0x81] =	vst.msk $0xffff, v2  }
.Ltmp3:
0x4c: {  	v4 =	vld [tilespmem:s17+$0x0];
	[tilespmem:s18+$0x0 ss:$0x81] =	vst.msk $0xffff, v0;
	s18 =	sadd.s32 s22, s19;
	(pc) =	sbr.rel @p1 .LBB1_3-.Ltmp3, $4  }
0x4d: {  	v3 =	vld [tilespmem:s17+$0x10];
	[tilespmem:s18+$0x3870 ss:$0x81] =	vst.msk $0xffff, v1  }
0x4e: {  	[tilespmem:s18+$0x810 ss:$0x81] =	vst.msk $0xffff, v5;
	v2 =	vld [tilespmem:s17+$0x20]  }
0x4f: {  	v0 =	vld [tilespmem:s17+$0xFFFFFFC0];
	[tilespmem:s18+$0x1020 ss:$0x81] =	vst.msk $0xffff, v6;
	s17 =	sadd.s32 $0x80, s17  }
0x50: {  	s21 =	sadd.s32 $0x4, s21;
	v1 =	vld [tilespmem:s17+$0x30];
	[tilespmem:s18+$0x1830 ss:$0x81] =	vst.msk $0xffff, v7  }
.Ltmp4:
0x51: {  	_ = 	snop;
	(pc) =	sbr.rel .LBB1_4-.Ltmp4, $1  }
0x52: {  	_ =	sdelay $0x3  }
.LBB1_6:
0x53: {  	_ =	sfence.sel $0x180000  }
0x54: {  	s2 =	simm.s32 $0x1;
	[bflag:$0x0] =	sbarrier.arrive $0xFFFF  }
0x55: {  	s31 =	simm.s32 $0x2;
	[sflag:s2] =	ssyncpa.u1 $0x1  }
0x56: {  	[sflag:s31] =	ssyncpa.u1 $0x1  }
0x57: {  	p0 =	sne.s32 s0, $0x0;
	_ =	strace $0x9000004A  }
0x58: {  	s0 =	sadd.s32 @!p0 $0x100000, s1;
	[bflag:$0x2] =	sbarrier.arrive $0xFFFF  }
0x59: {  	[sflag:s0] =	ssyncadd.tile.s32 @!p0 $0x1;
	_ =	shalt  }
.Lfunc_end1:
_tile_overlayer_lowered:
.L_overlay_start_2:
0x5a: {  	(tag) =	ssettag $0x2  }
0x5b: {  	s0 =	rddreg [dreg:$0x0];
	s2 =	stileid.u32  }
0x5c: {  	s1 =	rddreg [dreg:$0x1];
	p0 =	sne.s32 s2, $0x0  }
0x5d: {  	s3 =	rddreg [dreg:$0x2];
	[bflag:$0x3] =	sbarrier.arrive $0xFFFF;
	s2 =	simm.s32 @!p0 $0x1C01  }
0x5e: {  	[timem:s3], [sflag:s2] =	dma.local @!p0 [hbm:s0], s1  }
0x5f: {  	s0 =	simm.s32 @!p0 $0x1  }
0x60: {  	_ =	swait.ge @!p0 [sflag:s0], s1  }
0x61: {  	s1 =	ssub.s32 @!p0 $0x0, s1;
	[sflag:s0] =	ssyncset.done @!p0 $0x0  }
0x62: {  	[sflag:s0] =	ssyncadd.s32 @!p0 s1  }
0x63: {  	[bflag:$0x3] =	sbarrier.arrive $0xFFFF  }
0x64: {  	_ =	shalt  }

</sc_bundles>
